<compile_context>
chip_gen: v7x
topology: tpu7x:2x2x1
jax: 0.10.2.dev20260603
libtpu: 0.0.44.dev20260713+nightly
codegen_flags: <defaults>
</compile_context>

<pallas_src>
import functools

import jax
import jax.numpy as jnp
from jax import lax
from jax.experimental import pallas as pl
from jax.experimental.pallas import tpu as pltpu
from jax.experimental.pallas import tpu_sc as plsc

NC = 2
NS = 16
NW = NC * NS
LANES = 16
EB = 128
WIN = 8


def _mesh():
    return plsc.VectorSubcoreMesh(core_axis_name="c", subcore_axis_name="s")


def _row_split(n):
    per = (n // NS) & ~7
    return per, n - per * (NS - 1)


def _deg_pass(ei, n):
    e = ei.shape[1]
    nbt = e // EB
    nbf = nbt // NW
    rem = nbt - nbf * NW

    @functools.partial(
        pl.kernel,
        out_type=jax.ShapeDtypeStruct((NC, 1, n), jnp.float32),
        mesh=_mesh(),
        scratch_types=[
            pltpu.VMEM_SHARED((n,), jnp.float32),
            pltpu.VMEM((n,), jnp.float32),
            pltpu.VMEM((EB,), jnp.float32),
            pltpu.VMEM((nbf + 1, 2, EB), jnp.int32),
            pltpu.SemaphoreType.DMA,
            pltpu.SemaphoreType.DMA,
        ],
    )
    def deg_kernel(ei_hbm, deg_out, deg_sh, zbuf, ones_v, didx, seml, sems):
        c = lax.axis_index("c")
        s = lax.axis_index("s")
        w = s * NC + c
        nb = nbf + jnp.where(w < rem, 1, 0)
        start = w * nbf + jnp.minimum(w, rem)

        def fill1(i, carry):
            ones_v[pl.ds(i * LANES, LANES)] = jnp.ones((LANES,), jnp.float32)
            return carry

        lax.fori_loop(0, EB // LANES, fill1, 0)

        @pl.when(s == 0)
        def _():
            def fill(i, carry):
                zbuf[pl.ds(i * LANES, LANES)] = jnp.zeros((LANES,),
                                                          jnp.float32)
                return carry

            lax.fori_loop(0, n // LANES, fill, 0)
            pltpu.sync_copy(zbuf, deg_sh)

        def stage(i, carry):
            pltpu.async_copy(
                ei_hbm.at[pl.ds(0, 2), pl.ds((start + i) * EB, EB)],
                didx.at[i], seml)

            @pl.when(i >= WIN)
            def _():
                pltpu.make_async_copy(ei_hbm.at[pl.ds(0, 2), pl.ds(0, EB)],
                                      didx.at[0], seml).wait()

            return carry

        lax.fori_loop(0, nb, stage, 0)
        for _k in range(WIN):
            pltpu.make_async_copy(ei_hbm.at[pl.ds(0, 2), pl.ds(0, EB)],
                                  didx.at[0], seml).wait()

        plsc.subcore_barrier()

        def body(i, carry):
            pltpu.async_copy(ones_v, deg_sh.at[didx.at[i, 1]], sems, add=True)

            @pl.when(i >= WIN)
            def _():
                pltpu.make_async_copy(ones_v, deg_sh.at[didx.at[0, 1]],
                                      sems).wait()

            return carry

        lax.fori_loop(0, nb, body, 0)
        for _k in range(WIN):
            pltpu.make_async_copy(ones_v, deg_sh.at[didx.at[0, 1]],
                                  sems).wait()

        plsc.subcore_barrier()

        @pl.when(s == 0)
        def _():
            pltpu.sync_copy(deg_sh, deg_out.at[c, 0])

    return deg_kernel(ei)


def _gs_pass(g, ei):
    n, d = g.shape
    e = ei.shape[1]
    nbt = e // EB
    nbf = nbt // NW
    rem = nbt - nbf * NW
    per, last = _row_split(n)
    assert nbf % 4 == 2 and nbf >= 6

    @functools.partial(
        pl.kernel,
        out_type=jax.ShapeDtypeStruct((NC, n, d), jnp.float32),
        mesh=_mesh(),
        scratch_types=[
            pltpu.VMEM_SHARED((n, d), jnp.float32),
            pltpu.VMEM((2, EB), jnp.int32),
            pltpu.VMEM((2, EB), jnp.int32),
            pltpu.VMEM((2, EB), jnp.int32),
            pltpu.VMEM((2, EB), jnp.int32),
            pltpu.VMEM((EB, d), jnp.float32),
            pltpu.VMEM((EB, d), jnp.float32),
            pltpu.SemaphoreType.DMA,
            pltpu.SemaphoreType.DMA,
            pltpu.SemaphoreType.DMA,
            pltpu.SemaphoreType.DMA,
            pltpu.SemaphoreType.DMA,
            pltpu.SemaphoreType.DMA,
            pltpu.SemaphoreType.DMA,
            pltpu.SemaphoreType.DMA,
        ],
    )
    def gs_kernel(g_hbm, ei_hbm, acc_out, acc_sh, ib0, ib1, ib2, ib3,
                  rows0, rows1, semg0, semg1, il0, il1, il2, il3, ss0, ss1):
        c = lax.axis_index("c")
        s = lax.axis_index("s")
        w = s * NC + c
        nb = nbf + jnp.where(w < rem, 1, 0)
        start = w * nbf + jnp.minimum(w, rem)
        base = pl.multiple_of(s * per, 8)

        @pl.when(s < NS - 1)
        def _():
            pltpu.sync_copy(g_hbm.at[pl.ds(base, per)],
                            acc_sh.at[pl.ds(base, per)])

        @pl.when(s == NS - 1)
        def _():
            pltpu.sync_copy(g_hbm.at[pl.ds(base, last)],
                            acc_sh.at[pl.ds(base, last)])

        plsc.subcore_barrier()

        rows = (rows0, rows1)
        ib = (ib0, ib1, ib2, ib3)
        semg = (semg0, semg1)
        il = (il0, il1, il2, il3)
        sems = (ss0, ss1)

        def _scatter(b2, b4):
            pltpu.async_copy(rows[b2], acc_sh.at[ib[b4].at[1]], sems[b2],
                             add=True)
            pltpu.make_async_copy(rows[b2], acc_sh.at[ib[0].at[1]],
                                  sems[b2]).wait()

        def _iload(i, b4):
            pltpu.async_copy(
                ei_hbm.at[pl.ds(0, 2), pl.ds((start + i) * EB, EB)],
                ib[b4], il[b4])

        def _iload_wait(b4):
            pltpu.make_async_copy(ei_hbm.at[pl.ds(0, 2), pl.ds(0, EB)],
                                  ib[b4], il[b4]).wait()

        def _gather(i, b2, b4):
            pltpu.async_copy(g_hbm.at[ib[b4].at[0]], rows[b2], semg[b2])

        def _gather_wait(b2, b4):
            pltpu.make_async_copy(g_hbm.at[ib[b4].at[0]], rows[b2],
                                  semg[b2]).wait()

        def _batch(i, b2, b4):
            @pl.when(i + 2 < nb)
            def _():
                _iload(i + 2, (b4 + 2) % 4)

            _gather_wait(b2, b4)
            _scatter(b2, b4)

            @pl.when(i + 2 < nb)
            def _():
                _iload_wait((b4 + 2) % 4)
                _gather(i + 2, b2, (b4 + 2) % 4)

        _iload(0, 0)
        _iload(1, 1)
        _iload_wait(0)
        _gather(0, 0, 0)
        _iload_wait(1)
        _gather(1, 1, 1)

        def body(j, carry):
            for k in range(4):
                i = 4 * j + k
                _batch(i, k % 2, k)
            return carry

        lax.fori_loop(0, nbf // 4, body, 0)

        _batch(nbf - 2, 0, 0)
        _batch(nbf - 1, 1, 1)

        @pl.when(w < rem)
        def _():
            _gather_wait(0, 2)
            _scatter(0, 2)

        plsc.subcore_barrier()

        @pl.when(s < NS - 1)
        def _():
            pltpu.sync_copy(acc_sh.at[pl.ds(base, per)],
                            acc_out.at[c, pl.ds(base, per)])

        @pl.when(s == NS - 1)
        def _():
            pltpu.sync_copy(acc_sh.at[pl.ds(base, last)],
                            acc_out.at[c, pl.ds(base, last)])

    return gs_kernel(g, ei)


def _tc_b1(x, w):
    n, d_in = x.shape
    d_out = w.shape[1]
    blk = 2000

    def body(x_ref, w_ref, out_ref):
        xb = x_ref[...]
        nrm = jnp.sqrt(jnp.sum(xb * xb, axis=1, keepdims=True))
        xn = xb / (nrm + 1e-8)
        out_ref[...] = jnp.dot(xn, w_ref[...],
                               preferred_element_type=jnp.float32)

    return pl.pallas_call(
        body,
        grid=(n // blk,),
        in_specs=[
            pl.BlockSpec((blk, d_in), lambda i: (i, 0)),
            pl.BlockSpec((d_in, d_out), lambda i: (0, 0)),
        ],
        out_specs=pl.BlockSpec((blk, d_out), lambda i: (i, 0)),
        out_shape=jax.ShapeDtypeStruct((n, d_out), jnp.float32),
    )(x, w)


def _tc_b2(h, dsum):
    n, d = h.shape
    blk = 2000

    def body(h_ref, d_ref, out_ref):
        dinv = 1.0 / jnp.sqrt(d_ref[...] + 1.0)
        out_ref[...] = h_ref[...] * dinv

    return pl.pallas_call(
        body,
        grid=(n // blk,),
        in_specs=[
            pl.BlockSpec((blk, d), lambda i: (i, 0)),
            pl.BlockSpec((blk, 1), lambda i: (i, 0)),
        ],
        out_specs=pl.BlockSpec((blk, d), lambda i: (i, 0)),
        out_shape=jax.ShapeDtypeStruct((n, d), jnp.float32),
    )(h, dsum)


def _tc_d(acc, g, dsum, b2):
    n, d = g.shape
    blk = 2000

    def body(acc_ref, g_ref, d_ref, b_ref, out_ref):
        dinv = 1.0 / jnp.sqrt(d_ref[...] + 1.0)
        tot = acc_ref[0] + acc_ref[1] - g_ref[...]
        out_ref[...] = tot * dinv + b_ref[...]

    return pl.pallas_call(
        body,
        grid=(n // blk,),
        in_specs=[
            pl.BlockSpec((NC, blk, d), lambda i: (0, i, 0)),
            pl.BlockSpec((blk, d), lambda i: (i, 0)),
            pl.BlockSpec((blk, 1), lambda i: (i, 0)),
            pl.BlockSpec((1, d), lambda i: (0, 0)),
        ],
        out_specs=pl.BlockSpec((blk, d), lambda i: (i, 0)),
        out_shape=jax.ShapeDtypeStruct((n, d), jnp.float32),
    )(acc, g, dsum, b2)


def kernel(x, edge_index, W, b):
    n, _ = x.shape
    e = edge_index.shape[1]
    assert e % EB == 0 and n % LANES == 0
    h = _tc_b1(x, W)
    deg_p = _deg_pass(edge_index, n)
    dsum = (deg_p[0, 0] + deg_p[1, 0]).reshape(n, 1)
    g = _tc_b2(h, dsum)
    acc = _gs_pass(g, edge_index)
    return _tc_d(acc, g, dsum, b.reshape(1, -1))

# --- scband reference (transcript-rebuilt; emitter-appended) ---
"""Pipeline reference for scband-gnnforward-12850542149843 (READ-ONLY COPY).

The authoritative reference and input builder live on the scoring server;
editing this copy changes nothing except your own understanding.
"""

import jax, jax.numpy as jnp
import numpy as np

N = 10000
E = 320000
D_IN = 128
D_OUT = 128


def setup_inputs(seed: int = 0) -> dict:
    key = jax.random.key(seed)
    k1, k2, k3 = jax.random.split(key, 3)
    x = jax.random.normal(k1, (N, D_IN), dtype=jnp.float32)
    edge_index = jax.random.randint(k2, (2, E), 0, N, dtype=jnp.int32)
    W = jax.random.normal(k3, (D_IN, D_OUT), dtype=jnp.float32) * (1.0 / np.sqrt(D_IN))
    b = jnp.zeros((D_OUT,), dtype=jnp.float32)
    return {"x": x, "edge_index": edge_index, "W": W, "b": b}


def reference(x, edge_index, W, b):
    # Layer 0: LayerNormalization (FF-style parameter-free L2 row normalization)
    eps = 1e-8
    xn = x / (jnp.linalg.norm(x, axis=1, keepdims=True) + eps)

    # Layer 1: GNNForwardLayer wrapping a GCN conv (in=128, out=128)
    src = edge_index[0]
    dst = edge_index[1]
    loop = jnp.arange(N, dtype=edge_index.dtype)
    src2 = jnp.concatenate([src, loop])  # add self-loops
    dst2 = jnp.concatenate([dst, loop])

    ones = jnp.ones(src2.shape[0], dtype=x.dtype)
    deg = jax.ops.segment_sum(ones, dst2, num_segments=N)
    dinv = jnp.where(deg > 0, 1.0 / jnp.sqrt(deg), 0.0)
    norm = dinv[src2] * dinv[dst2]

    h = xn @ W
    msg = h[src2] * norm[:, None]          # gather (memory-bound)
    out = jax.ops.segment_sum(msg, dst2, num_segments=N) + b  # scatter-add
    return out

if __name__ == "__main__":
    import jax
    _d = setup_inputs()
    print(jax.jit(kernel)(*tuple(_d.values())))

</pallas_src>

<mosaic_0001>
#map = affine_map<(d0, d1) -> (0, 0)>
#map1 = affine_map<(d0, d1) -> (0, 0, 0)>
module attributes {stable_mosaic.version = 14 : i64} {
  func.func @gs_kernel(%arg0: i32, %arg1: i32, %arg2: memref<10000x128xf32, #tpu.memory_space<hbm>>, %arg3: memref<2x320000xi32, #tpu.memory_space<hbm>>, %arg4: memref<2x10000x128xf32, #tpu.memory_space<hbm>>, %arg5: memref<10000x128xf32, #tpu.memory_space<vmem_shared>>, %arg6: memref<2x128xi32, #tpu.memory_space<vmem>>, %arg7: memref<2x128xi32, #tpu.memory_space<vmem>>, %arg8: memref<2x128xi32, #tpu.memory_space<vmem>>, %arg9: memref<2x128xi32, #tpu.memory_space<vmem>>, %arg10: memref<128x128xf32, #tpu.memory_space<vmem>>, %arg11: memref<128x128xf32, #tpu.memory_space<vmem>>, %arg12: memref<!tpu.dma_semaphore, #tpu.memory_space<semaphore_mem>>, %arg13: memref<!tpu.dma_semaphore, #tpu.memory_space<semaphore_mem>>, %arg14: memref<!tpu.dma_semaphore, #tpu.memory_space<semaphore_mem>>, %arg15: memref<!tpu.dma_semaphore, #tpu.memory_space<semaphore_mem>>, %arg16: memref<!tpu.dma_semaphore, #tpu.memory_space<semaphore_mem>>, %arg17: memref<!tpu.dma_semaphore, #tpu.memory_space<semaphore_mem>>, %arg18: memref<!tpu.dma_semaphore, #tpu.memory_space<semaphore_mem>>, %arg19: memref<!tpu.dma_semaphore, #tpu.memory_space<semaphore_mem>>) attributes {dimension_semantics = [#tpu.dimension_semantics<core_parallel>, #tpu.dimension_semantics<subcore_parallel>], iteration_bounds = array<i64: 2, 16>, scalar_prefetch = 0 : i64, scratch_operands = 15 : i64, tpu.core_type = #tpu.core_type<sc_vector_subcore>, window_params = [{transform_indices = #map}, {transform_indices = #map}, {transform_indices = #map1}]} {
    %mul3A = arith.constant 2 : i32
    %mul3A_0 = arith.muli %arg1, %mul3A : i32
    %add3A = arith.addi %mul3A_0, %arg0 : i32
    %lt3A = arith.constant 4 : i32
    %lt3A_1 = arith.cmpi slt, %add3A, %lt3A : i32
    %jit3A = arith.constant 1 : i32
    %jit3A_2 = arith.constant 0 : i32
    %select_n3A = arith.select %lt3A_1, %jit3A, %jit3A_2 : i32
    %add3A_3 = arith.constant 78 : i32
    %add3A_4 = arith.addi %add3A_3, %select_n3A : i32
    %mul3A_5 = arith.constant 78 : i32
    %mul3A_6 = arith.muli %add3A, %mul3A_5 : i32
    %min3A = arith.constant 4 : i32
    %min3A_7 = arith.minsi %add3A, %min3A : i32
    %add3A_8 = arith.addi %mul3A_6, %min3A_7 : i32
    %mul3A_9 = arith.constant 624 : i32
    %mul3A_10 = arith.muli %arg1, %mul3A_9 : i32
    %multiple_of3A = tpu.assume_multiple %mul3A_10, 8 : i32
    %lt3A_11 = arith.constant 15 : i32
    %lt3A_12 = arith.cmpi slt, %arg1, %lt3A_11 : i32
    %convert_element_type3A = arith.extui %lt3A_12 : i1 to i32
    %cond3A = arith.constant 0 : i32
    %cond3A_13 = arith.cmpi ne, %convert_element_type3A, %cond3A : i32
    scf.if %cond3A_13 {
      "tpu.region"() ({
        %run_scoped3A = tpu.sem_alloc : memref<!tpu.dma_semaphore, #tpu.memory_space<semaphore_mem>>
        %dma_start3A_140 = arith.constant 0 : i32
        %dma_start3A_141 = tpu.memref_slice %arg5[%multiple_of3A, %dma_start3A_140] : memref<10000x128xf32, #tpu.memory_space<vmem_shared>> -> memref<624x128xf32, #tpu.memory_space<vmem_shared>>
        %dma_start3A_142 = arith.constant 0 : i32
        %dma_start3A_143 = tpu.memref_slice %arg2[%multiple_of3A, %dma_start3A_142] : memref<10000x128xf32, #tpu.memory_space<hbm>> -> memref<624x128xf32, #tpu.memory_space<hbm>>
        tpu.enqueue_dma source(%dma_start3A_143 : memref<624x128xf32, #tpu.memory_space<hbm>>) target(%dma_start3A_141 : memref<624x128xf32, #tpu.memory_space<vmem_shared>>) target_semaphore(%run_scoped3A : memref<!tpu.dma_semaphore, #tpu.memory_space<semaphore_mem>>)
        %dma_wait3A_144 = arith.constant 0 : i32
        %dma_wait3A_145 = tpu.memref_slice %arg5[%multiple_of3A, %dma_wait3A_144] : memref<10000x128xf32, #tpu.memory_space<vmem_shared>> -> memref<624x128xf32, #tpu.memory_space<vmem_shared>>
        %dma_wait3A_146 = arith.constant 0 : i32
        %dma_wait3A_147 = tpu.memref_slice %arg2[%multiple_of3A, %dma_wait3A_146] : memref<10000x128xf32, #tpu.memory_space<hbm>> -> memref<624x128xf32, #tpu.memory_space<hbm>>
        tpu.wait_dma2 semaphore(%run_scoped3A : memref<!tpu.dma_semaphore, #tpu.memory_space<semaphore_mem>>) src(%dma_wait3A_147 : memref<624x128xf32, #tpu.memory_space<hbm>>) dst(%dma_wait3A_145 : memref<624x128xf32, #tpu.memory_space<vmem_shared>>)
        tpu.yield
      }) : () -> ()
    } else {
    }
    %eq3A = arith.constant 15 : i32
    %eq3A_14 = arith.cmpi eq, %arg1, %eq3A : i32
    %convert_element_type3A_15 = arith.extui %eq3A_14 : i1 to i32
    %cond3A_16 = arith.constant 0 : i32
    %cond3A_17 = arith.cmpi ne, %convert_element_type3A_15, %cond3A_16 : i32
    scf.if %cond3A_17 {
      "tpu.region"() ({
        %run_scoped3A = tpu.sem_alloc : memref<!tpu.dma_semaphore, #tpu.memory_space<semaphore_mem>>
        %dma_start3A_140 = arith.constant 0 : i32
        %dma_start3A_141 = tpu.memref_slice %arg5[%multiple_of3A, %dma_start3A_140] : memref<10000x128xf32, #tpu.memory_space<vmem_shared>> -> memref<640x128xf32, #tpu.memory_space<vmem_shared>>
        %dma_start3A_142 = arith.constant 0 : i32
        %dma_start3A_143 = tpu.memref_slice %arg2[%multiple_of3A, %dma_start3A_142] : memref<10000x128xf32, #tpu.memory_space<hbm>> -> memref<640x128xf32, #tpu.memory_space<hbm>>
        tpu.enqueue_dma source(%dma_start3A_143 : memref<640x128xf32, #tpu.memory_space<hbm>>) target(%dma_start3A_141 : memref<640x128xf32, #tpu.memory_space<vmem_shared>>) target_semaphore(%run_scoped3A : memref<!tpu.dma_semaphore, #tpu.memory_space<semaphore_mem>>)
        %dma_wait3A_144 = arith.constant 0 : i32
        %dma_wait3A_145 = tpu.memref_slice %arg5[%multiple_of3A, %dma_wait3A_144] : memref<10000x128xf32, #tpu.memory_space<vmem_shared>> -> memref<640x128xf32, #tpu.memory_space<vmem_shared>>
        %dma_wait3A_146 = arith.constant 0 : i32
        %dma_wait3A_147 = tpu.memref_slice %arg2[%multiple_of3A, %dma_wait3A_146] : memref<10000x128xf32, #tpu.memory_space<hbm>> -> memref<640x128xf32, #tpu.memory_space<hbm>>
        tpu.wait_dma2 semaphore(%run_scoped3A : memref<!tpu.dma_semaphore, #tpu.memory_space<semaphore_mem>>) src(%dma_wait3A_147 : memref<640x128xf32, #tpu.memory_space<hbm>>) dst(%dma_wait3A_145 : memref<640x128xf32, #tpu.memory_space<vmem_shared>>)
        tpu.yield
      }) : () -> ()
    } else {
    }
    %barrier3A = arith.constant 0 : index
    tpu.barrier barrier_id(%barrier3A)
    %add3A_18 = arith.constant 0 : i32
    %add3A_19 = arith.addi %add3A_8, %add3A_18 : i32
    %mul3A_20 = arith.constant 128 : i32
    %mul3A_21 = arith.muli %add3A_19, %mul3A_20 : i32
    %dma_start3A = arith.constant 0 : i32
    %dma_start3A_22 = tpu.memref_slice %arg3[%dma_start3A, %mul3A_21] : memref<2x320000xi32, #tpu.memory_space<hbm>> -> memref<2x128xi32, #tpu.memory_space<hbm>>
    %dma_start3A_23 = arith.constant 0 : i32
    %dma_start3A_24 = tpu.memref_slice %arg3[%dma_start3A_23, %mul3A_21] : memref<2x320000xi32, #tpu.memory_space<hbm>> -> memref<2x128xi32, #tpu.memory_space<hbm>>
    tpu.enqueue_dma source(%dma_start3A_24 : memref<2x128xi32, #tpu.memory_space<hbm>>) target(%arg6 : memref<2x128xi32, #tpu.memory_space<vmem>>) target_semaphore(%arg14 : memref<!tpu.dma_semaphore, #tpu.memory_space<semaphore_mem>>)
    %add3A_25 = arith.constant 1 : i32
    %add3A_26 = arith.addi %add3A_8, %add3A_25 : i32
    %mul3A_27 = arith.constant 128 : i32
    %mul3A_28 = arith.muli %add3A_26, %mul3A_27 : i32
    %dma_start3A_29 = arith.constant 0 : i32
    %dma_start3A_30 = tpu.memref_slice %arg3[%dma_start3A_29, %mul3A_28] : memref<2x320000xi32, #tpu.memory_space<hbm>> -> memref<2x128xi32, #tpu.memory_space<hbm>>
    %dma_start3A_31 = arith.constant 0 : i32
    %dma_start3A_32 = tpu.memref_slice %arg3[%dma_start3A_31, %mul3A_28] : memref<2x320000xi32, #tpu.memory_space<hbm>> -> memref<2x128xi32, #tpu.memory_space<hbm>>
    tpu.enqueue_dma source(%dma_start3A_32 : memref<2x128xi32, #tpu.memory_space<hbm>>) target(%arg7 : memref<2x128xi32, #tpu.memory_space<vmem>>) target_semaphore(%arg15 : memref<!tpu.dma_semaphore, #tpu.memory_space<semaphore_mem>>)
    %dma_wait3A = arith.constant 0 : i32
    %dma_wait3A_33 = arith.constant 0 : i32
    %dma_wait3A_34 = tpu.memref_slice %arg3[%dma_wait3A, %dma_wait3A_33] : memref<2x320000xi32, #tpu.memory_space<hbm>> -> memref<2x128xi32, #tpu.memory_space<hbm>>
    %dma_wait3A_35 = arith.constant 0 : i32
    %dma_wait3A_36 = arith.constant 0 : i32
    %dma_wait3A_37 = tpu.memref_slice %arg3[%dma_wait3A_35, %dma_wait3A_36] : memref<2x320000xi32, #tpu.memory_space<hbm>> -> memref<2x128xi32, #tpu.memory_space<hbm>>
    tpu.wait_dma2 semaphore(%arg14 : memref<!tpu.dma_semaphore, #tpu.memory_space<semaphore_mem>>) src(%dma_wait3A_37 : memref<2x128xi32, #tpu.memory_space<hbm>>) dst(%arg6 : memref<2x128xi32, #tpu.memory_space<vmem>>)
    %dma_start3A_38 = arith.constant 0 : i32
    %dma_start3A_39 = arith.constant 0 : i32
    %dma_start3A_40 = tpu.memref_slice %arg6[%dma_start3A_38, %dma_start3A_39] : memref<2x128xi32, #tpu.memory_space<vmem>> -> memref<1x128xi32, #tpu.memory_space<vmem>>
    %dma_start3A_41 = tpu.memref_squeeze %dma_start3A_40 : memref<1x128xi32, #tpu.memory_space<vmem>> -> memref<128xi32, #tpu.memory_space<vmem>>
    %dma_start3A_42 = arith.constant 0 : i32
    %dma_start3A_43 = arith.constant 0 : i32
    %dma_start3A_44 = tpu.memref_slice %arg2[%dma_start3A_42, %dma_start3A_43] : memref<10000x128xf32, #tpu.memory_space<hbm>> -> memref<10000x128xf32, #tpu.memory_space<hbm>>
    tpu.enqueue_indirect_dma source(%dma_start3A_44 : memref<10000x128xf32, #tpu.memory_space<hbm>>) target(%arg10 : memref<128x128xf32, #tpu.memory_space<vmem>>) offsets(%dma_start3A_41 : memref<128xi32, #tpu.memory_space<vmem>>) semaphore(%arg12 : memref<!tpu.dma_semaphore, #tpu.memory_space<semaphore_mem>>)
    %dma_wait3A_45 = arith.constant 0 : i32
    %dma_wait3A_46 = arith.constant 0 : i32
    %dma_wait3A_47 = tpu.memref_slice %arg3[%dma_wait3A_45, %dma_wait3A_46] : memref<2x320000xi32, #tpu.memory_space<hbm>> -> memref<2x128xi32, #tpu.memory_space<hbm>>
    %dma_wait3A_48 = arith.constant 0 : i32
    %dma_wait3A_49 = arith.constant 0 : i32
    %dma_wait3A_50 = tpu.memref_slice %arg3[%dma_wait3A_48, %dma_wait3A_49] : memref<2x320000xi32, #tpu.memory_space<hbm>> -> memref<2x128xi32, #tpu.memory_space<hbm>>
    tpu.wait_dma2 semaphore(%arg15 : memref<!tpu.dma_semaphore, #tpu.memory_space<semaphore_mem>>) src(%dma_wait3A_50 : memref<2x128xi32, #tpu.memory_space<hbm>>) dst(%arg7 : memref<2x128xi32, #tpu.memory_space<vmem>>)
    %dma_start3A_51 = arith.constant 0 : i32
    %dma_start3A_52 = arith.constant 0 : i32
    %dma_start3A_53 = tpu.memref_slice %arg7[%dma_start3A_51, %dma_start3A_52] : memref<2x128xi32, #tpu.memory_space<vmem>> -> memref<1x128xi32, #tpu.memory_space<vmem>>
    %dma_start3A_54 = tpu.memref_squeeze %dma_start3A_53 : memref<1x128xi32, #tpu.memory_space<vmem>> -> memref<128xi32, #tpu.memory_space<vmem>>
    %dma_start3A_55 = arith.constant 0 : i32
    %dma_start3A_56 = arith.constant 0 : i32
    %dma_start3A_57 = tpu.memref_slice %arg2[%dma_start3A_55, %dma_start3A_56] : memref<10000x128xf32, #tpu.memory_space<hbm>> -> memref<10000x128xf32, #tpu.memory_space<hbm>>
    tpu.enqueue_indirect_dma source(%dma_start3A_57 : memref<10000x128xf32, #tpu.memory_space<hbm>>) target(%arg11 : memref<128x128xf32, #tpu.memory_space<vmem>>) offsets(%dma_start3A_54 : memref<128xi32, #tpu.memory_space<vmem>>) semaphore(%arg13 : memref<!tpu.dma_semaphore, #tpu.memory_space<semaphore_mem>>)
    %scan3A = arith.constant 0 : i32
    %scan3A_58 = arith.constant 0 : i32
    %scan3A_59 = arith.constant 19 : i32
    %scan3A_60 = arith.addi %scan3A_58, %scan3A_59 : i32
    %scan3A_61 = arith.constant 1 : i32
    scf.for %scan3A_140 = %scan3A_58 to %scan3A_60 step %scan3A_61  : i32 {
      %mul3A_141 = arith.constant 4 : i32
      %mul3A_142 = arith.muli %mul3A_141, %scan3A_140 : i32
      %add3A_143 = arith.constant 0 : i32
      %add3A_144 = arith.addi %mul3A_142, %add3A_143 : i32
      %add3A_145 = arith.constant 2 : i32
      %add3A_146 = arith.addi %add3A_144, %add3A_145 : i32
      %lt3A_147 = arith.cmpi slt, %add3A_146, %add3A_4 : i32
      %convert_element_type3A_148 = arith.extui %lt3A_147 : i1 to i32
      %cond3A_149 = arith.constant 0 : i32
      %cond3A_150 = arith.cmpi ne, %convert_element_type3A_148, %cond3A_149 : i32
      scf.if %cond3A_150 {
        %add3A_289 = arith.constant 2 : i32
        %add3A_290 = arith.addi %add3A_144, %add3A_289 : i32
        %add3A_291 = arith.addi %add3A_8, %add3A_290 : i32
        %mul3A_292 = arith.constant 128 : i32
        %mul3A_293 = arith.muli %add3A_291, %mul3A_292 : i32
        %dma_start3A_294 = arith.constant 0 : i32
        %dma_start3A_295 = tpu.memref_slice %arg3[%dma_start3A_294, %mul3A_293] : memref<2x320000xi32, #tpu.memory_space<hbm>> -> memref<2x128xi32, #tpu.memory_space<hbm>>
        %dma_start3A_296 = arith.constant 0 : i32
        %dma_start3A_297 = tpu.memref_slice %arg3[%dma_start3A_296, %mul3A_293] : memref<2x320000xi32, #tpu.memory_space<hbm>> -> memref<2x128xi32, #tpu.memory_space<hbm>>
        tpu.enqueue_dma source(%dma_start3A_297 : memref<2x128xi32, #tpu.memory_space<hbm>>) target(%arg8 : memref<2x128xi32, #tpu.memory_space<vmem>>) target_semaphore(%arg16 : memref<!tpu.dma_semaphore, #tpu.memory_space<semaphore_mem>>)
      } else {
      }
      %dma_wait3A_151 = arith.constant 0 : i32
      %dma_wait3A_152 = arith.constant 0 : i32
      %dma_wait3A_153 = tpu.memref_slice %arg6[%dma_wait3A_151, %dma_wait3A_152] : memref<2x128xi32, #tpu.memory_space<vmem>> -> memref<1x128xi32, #tpu.memory_space<vmem>>
      %dma_wait3A_154 = tpu.memref_squeeze %dma_wait3A_153 : memref<1x128xi32, #tpu.memory_space<vmem>> -> memref<128xi32, #tpu.memory_space<vmem>>
      %dma_wait3A_155 = arith.constant 0 : i32
      %dma_wait3A_156 = arith.constant 0 : i32
      %dma_wait3A_157 = tpu.memref_slice %arg2[%dma_wait3A_155, %dma_wait3A_156] : memref<10000x128xf32, #tpu.memory_space<hbm>> -> memref<10000x128xf32, #tpu.memory_space<hbm>>
      tpu.wait_indirect_dma semaphore(%arg12 : memref<!tpu.dma_semaphore, #tpu.memory_space<semaphore_mem>>) src(%dma_wait3A_157 : memref<10000x128xf32, #tpu.memory_space<hbm>>) dst(%arg10 : memref<128x128xf32, #tpu.memory_space<vmem>>)
      %dma_start3A_158 = arith.constant 1 : i32
      %dma_start3A_159 = arith.constant 0 : i32
      %dma_start3A_160 = tpu.memref_slice %arg6[%dma_start3A_158, %dma_start3A_159] : memref<2x128xi32, #tpu.memory_space<vmem>> -> memref<1x128xi32, #tpu.memory_space<vmem>>
      %dma_start3A_161 = tpu.memref_squeeze %dma_start3A_160 : memref<1x128xi32, #tpu.memory_space<vmem>> -> memref<128xi32, #tpu.memory_space<vmem>>
      %dma_start3A_162 = arith.constant 0 : i32
      %dma_start3A_163 = arith.constant 0 : i32
      %dma_start3A_164 = tpu.memref_slice %arg5[%dma_start3A_162, %dma_start3A_163] : memref<10000x128xf32, #tpu.memory_space<vmem_shared>> -> memref<10000x128xf32, #tpu.memory_space<vmem_shared>>
      tpu.enqueue_indirect_dma source(%arg10 : memref<128x128xf32, #tpu.memory_space<vmem>>) target(%dma_start3A_164 : memref<10000x128xf32, #tpu.memory_space<vmem_shared>>) offsets(%dma_start3A_161 : memref<128xi32, #tpu.memory_space<vmem>>) semaphore(%arg18 : memref<!tpu.dma_semaphore, #tpu.memory_space<semaphore_mem>>) {add = true}
      %dma_wait3A_165 = arith.constant 1 : i32
      %dma_wait3A_166 = arith.constant 0 : i32
      %dma_wait3A_167 = tpu.memref_slice %arg6[%dma_wait3A_165, %dma_wait3A_166] : memref<2x128xi32, #tpu.memory_space<vmem>> -> memref<1x128xi32, #tpu.memory_space<vmem>>
      %dma_wait3A_168 = tpu.memref_squeeze %dma_wait3A_167 : memref<1x128xi32, #tpu.memory_space<vmem>> -> memref<128xi32, #tpu.memory_space<vmem>>
      %dma_wait3A_169 = arith.constant 0 : i32
      %dma_wait3A_170 = arith.constant 0 : i32
      %dma_wait3A_171 = tpu.memref_slice %arg5[%dma_wait3A_169, %dma_wait3A_170] : memref<10000x128xf32, #tpu.memory_space<vmem_shared>> -> memref<10000x128xf32, #tpu.memory_space<vmem_shared>>
      tpu.wait_indirect_dma semaphore(%arg18 : memref<!tpu.dma_semaphore, #tpu.memory_space<semaphore_mem>>) src(%arg10 : memref<128x128xf32, #tpu.memory_space<vmem>>) dst(%dma_wait3A_171 : memref<10000x128xf32, #tpu.memory_space<vmem_shared>>)
      %add3A_172 = arith.constant 2 : i32
      %add3A_173 = arith.addi %add3A_144, %add3A_172 : i32
      %lt3A_174 = arith.cmpi slt, %add3A_173, %add3A_4 : i32
      %convert_element_type3A_175 = arith.extui %lt3A_174 : i1 to i32
      %cond3A_176 = arith.constant 0 : i32
      %cond3A_177 = arith.cmpi ne, %convert_element_type3A_175, %cond3A_176 : i32
      scf.if %cond3A_177 {
        %dma_wait3A_289 = arith.constant 0 : i32
        %dma_wait3A_290 = arith.constant 0 : i32
        %dma_wait3A_291 = tpu.memref_slice %arg3[%dma_wait3A_289, %dma_wait3A_290] : memref<2x320000xi32, #tpu.memory_space<hbm>> -> memref<2x128xi32, #tpu.memory_space<hbm>>
        %dma_wait3A_292 = arith.constant 0 : i32
        %dma_wait3A_293 = arith.constant 0 : i32
        %dma_wait3A_294 = tpu.memref_slice %arg3[%dma_wait3A_292, %dma_wait3A_293] : memref<2x320000xi32, #tpu.memory_space<hbm>> -> memref<2x128xi32, #tpu.memory_space<hbm>>
        tpu.wait_dma2 semaphore(%arg16 : memref<!tpu.dma_semaphore, #tpu.memory_space<semaphore_mem>>) src(%dma_wait3A_294 : memref<2x128xi32, #tpu.memory_space<hbm>>) dst(%arg8 : memref<2x128xi32, #tpu.memory_space<vmem>>)
        %add3A_295 = arith.constant 2 : i32
        %add3A_296 = arith.addi %add3A_144, %add3A_295 : i32
        %dma_start3A_297 = arith.constant 0 : i32
        %dma_start3A_298 = arith.constant 0 : i32
        %dma_start3A_299 = tpu.memref_slice %arg8[%dma_start3A_297, %dma_start3A_298] : memref<2x128xi32, #tpu.memory_space<vmem>> -> memref<1x128xi32, #tpu.memory_space<vmem>>
        %dma_start3A_300 = tpu.memref_squeeze %dma_start3A_299 : memref<1x128xi32, #tpu.memory_space<vmem>> -> memref<128xi32, #tpu.memory_space<vmem>>
        %dma_start3A_301 = arith.constant 0 : i32
        %dma_start3A_302 = arith.constant 0 : i32
        %dma_start3A_303 = tpu.memref_slice %arg2[%dma_start3A_301, %dma_start3A_302] : memref<10000x128xf32, #tpu.memory_space<hbm>> -> memref<10000x128xf32, #tpu.memory_space<hbm>>
        tpu.enqueue_indirect_dma source(%dma_start3A_303 : memref<10000x128xf32, #tpu.memory_space<hbm>>) target(%arg10 : memref<128x128xf32, #tpu.memory_space<vmem>>) offsets(%dma_start3A_300 : memref<128xi32, #tpu.memory_space<vmem>>) semaphore(%arg12 : memref<!tpu.dma_semaphore, #tpu.memory_space<semaphore_mem>>)
      } else {
      }
      %mul3A_178 = arith.constant 4 : i32
      %mul3A_179 = arith.muli %mul3A_178, %scan3A_140 : i32
      %add3A_180 = arith.constant 1 : i32
      %add3A_181 = arith.addi %mul3A_179, %add3A_180 : i32
      %add3A_182 = arith.constant 2 : i32
      %add3A_183 = arith.addi %add3A_181, %add3A_182 : i32
      %lt3A_184 = arith.cmpi slt, %add3A_183, %add3A_4 : i32
      %convert_element_type3A_185 = arith.extui %lt3A_184 : i1 to i32
      %cond3A_186 = arith.constant 0 : i32
      %cond3A_187 = arith.cmpi ne, %convert_element_type3A_185, %cond3A_186 : i32
      scf.if %cond3A_187 {
        %add3A_289 = arith.constant 2 : i32
        %add3A_290 = arith.addi %add3A_181, %add3A_289 : i32
        %add3A_291 = arith.addi %add3A_8, %add3A_290 : i32
        %mul3A_292 = arith.constant 128 : i32
        %mul3A_293 = arith.muli %add3A_291, %mul3A_292 : i32
        %dma_start3A_294 = arith.constant 0 : i32
        %dma_start3A_295 = tpu.memref_slice %arg3[%dma_start3A_294, %mul3A_293] : memref<2x320000xi32, #tpu.memory_space<hbm>> -> memref<2x128xi32, #tpu.memory_space<hbm>>
        %dma_start3A_296 = arith.constant 0 : i32
        %dma_start3A_297 = tpu.memref_slice %arg3[%dma_start3A_296, %mul3A_293] : memref<2x320000xi32, #tpu.memory_space<hbm>> -> memref<2x128xi32, #tpu.memory_space<hbm>>
        tpu.enqueue_dma source(%dma_start3A_297 : memref<2x128xi32, #tpu.memory_space<hbm>>) target(%arg9 : memref<2x128xi32, #tpu.memory_space<vmem>>) target_semaphore(%arg17 : memref<!tpu.dma_semaphore, #tpu.memory_space<semaphore_mem>>)
      } else {
      }
      %dma_wait3A_188 = arith.constant 0 : i32
      %dma_wait3A_189 = arith.constant 0 : i32
      %dma_wait3A_190 = tpu.memref_slice %arg7[%dma_wait3A_188, %dma_wait3A_189] : memref<2x128xi32, #tpu.memory_space<vmem>> -> memref<1x128xi32, #tpu.memory_space<vmem>>
      %dma_wait3A_191 = tpu.memref_squeeze %dma_wait3A_190 : memref<1x128xi32, #tpu.memory_space<vmem>> -> memref<128xi32, #tpu.memory_space<vmem>>
      %dma_wait3A_192 = arith.constant 0 : i32
      %dma_wait3A_193 = arith.constant 0 : i32
      %dma_wait3A_194 = tpu.memref_slice %arg2[%dma_wait3A_192, %dma_wait3A_193] : memref<10000x128xf32, #tpu.memory_space<hbm>> -> memref<10000x128xf32, #tpu.memory_space<hbm>>
      tpu.wait_indirect_dma semaphore(%arg13 : memref<!tpu.dma_semaphore, #tpu.memory_space<semaphore_mem>>) src(%dma_wait3A_194 : memref<10000x128xf32, #tpu.memory_space<hbm>>) dst(%arg11 : memref<128x128xf32, #tpu.memory_space<vmem>>)
      %dma_start3A_195 = arith.constant 1 : i32
      %dma_start3A_196 = arith.constant 0 : i32
      %dma_start3A_197 = tpu.memref_slice %arg7[%dma_start3A_195, %dma_start3A_196] : memref<2x128xi32, #tpu.memory_space<vmem>> -> memref<1x128xi32, #tpu.memory_space<vmem>>
      %dma_start3A_198 = tpu.memref_squeeze %dma_start3A_197 : memref<1x128xi32, #tpu.memory_space<vmem>> -> memref<128xi32, #tpu.memory_space<vmem>>
      %dma_start3A_199 = arith.constant 0 : i32
      %dma_start3A_200 = arith.constant 0 : i32
      %dma_start3A_201 = tpu.memref_slice %arg5[%dma_start3A_199, %dma_start3A_200] : memref<10000x128xf32, #tpu.memory_space<vmem_shared>> -> memref<10000x128xf32, #tpu.memory_space<vmem_shared>>
      tpu.enqueue_indirect_dma source(%arg11 : memref<128x128xf32, #tpu.memory_space<vmem>>) target(%dma_start3A_201 : memref<10000x128xf32, #tpu.memory_space<vmem_shared>>) offsets(%dma_start3A_198 : memref<128xi32, #tpu.memory_space<vmem>>) semaphore(%arg19 : memref<!tpu.dma_semaphore, #tpu.memory_space<semaphore_mem>>) {add = true}
      %dma_wait3A_202 = arith.constant 1 : i32
      %dma_wait3A_203 = arith.constant 0 : i32
      %dma_wait3A_204 = tpu.memref_slice %arg6[%dma_wait3A_202, %dma_wait3A_203] : memref<2x128xi32, #tpu.memory_space<vmem>> -> memref<1x128xi32, #tpu.memory_space<vmem>>
      %dma_wait3A_205 = tpu.memref_squeeze %dma_wait3A_204 : memref<1x128xi32, #tpu.memory_space<vmem>> -> memref<128xi32, #tpu.memory_space<vmem>>
      %dma_wait3A_206 = arith.constant 0 : i32
      %dma_wait3A_207 = arith.constant 0 : i32
      %dma_wait3A_208 = tpu.memref_slice %arg5[%dma_wait3A_206, %dma_wait3A_207] : memref<10000x128xf32, #tpu.memory_space<vmem_shared>> -> memref<10000x128xf32, #tpu.memory_space<vmem_shared>>
      tpu.wait_indirect_dma semaphore(%arg19 : memref<!tpu.dma_semaphore, #tpu.memory_space<semaphore_mem>>) src(%arg11 : memref<128x128xf32, #tpu.memory_space<vmem>>) dst(%dma_wait3A_208 : memref<10000x128xf32, #tpu.memory_space<vmem_shared>>)
      %add3A_209 = arith.constant 2 : i32
      %add3A_210 = arith.addi %add3A_181, %add3A_209 : i32
      %lt3A_211 = arith.cmpi slt, %add3A_210, %add3A_4 : i32
      %convert_element_type3A_212 = arith.extui %lt3A_211 : i1 to i32
      %cond3A_213 = arith.constant 0 : i32
      %cond3A_214 = arith.cmpi ne, %convert_element_type3A_212, %cond3A_213 : i32
      scf.if %cond3A_214 {
        %dma_wait3A_289 = arith.constant 0 : i32
        %dma_wait3A_290 = arith.constant 0 : i32
        %dma_wait3A_291 = tpu.memref_slice %arg3[%dma_wait3A_289, %dma_wait3A_290] : memref<2x320000xi32, #tpu.memory_space<hbm>> -> memref<2x128xi32, #tpu.memory_space<hbm>>
        %dma_wait3A_292 = arith.constant 0 : i32
        %dma_wait3A_293 = arith.constant 0 : i32
        %dma_wait3A_294 = tpu.memref_slice %arg3[%dma_wait3A_292, %dma_wait3A_293] : memref<2x320000xi32, #tpu.memory_space<hbm>> -> memref<2x128xi32, #tpu.memory_space<hbm>>
        tpu.wait_dma2 semaphore(%arg17 : memref<!tpu.dma_semaphore, #tpu.memory_space<semaphore_mem>>) src(%dma_wait3A_294 : memref<2x128xi32, #tpu.memory_space<hbm>>) dst(%arg9 : memref<2x128xi32, #tpu.memory_space<vmem>>)
        %add3A_295 = arith.constant 2 : i32
        %add3A_296 = arith.addi %add3A_181, %add3A_295 : i32
        %dma_start3A_297 = arith.constant 0 : i32
        %dma_start3A_298 = arith.constant 0 : i32
        %dma_start3A_299 = tpu.memref_slice %arg9[%dma_start3A_297, %dma_start3A_298] : memref<2x128xi32, #tpu.memory_space<vmem>> -> memref<1x128xi32, #tpu.memory_space<vmem>>
        %dma_start3A_300 = tpu.memref_squeeze %dma_start3A_299 : memref<1x128xi32, #tpu.memory_space<vmem>> -> memref<128xi32, #tpu.memory_space<vmem>>
        %dma_start3A_301 = arith.constant 0 : i32
        %dma_start3A_302 = arith.constant 0 : i32
        %dma_start3A_303 = tpu.memref_slice %arg2[%dma_start3A_301, %dma_start3A_302] : memref<10000x128xf32, #tpu.memory_space<hbm>> -> memref<10000x128xf32, #tpu.memory_space<hbm>>
        tpu.enqueue_indirect_dma source(%dma_start3A_303 : memref<10000x128xf32, #tpu.memory_space<hbm>>) target(%arg11 : memref<128x128xf32, #tpu.memory_space<vmem>>) offsets(%dma_start3A_300 : memref<128xi32, #tpu.memory_space<vmem>>) semaphore(%arg13 : memref<!tpu.dma_semaphore, #tpu.memory_space<semaphore_mem>>)
      } else {
      }
      %mul3A_215 = arith.constant 4 : i32
      %mul3A_216 = arith.muli %mul3A_215, %scan3A_140 : i32
      %add3A_217 = arith.constant 2 : i32
      %add3A_218 = arith.addi %mul3A_216, %add3A_217 : i32
      %add3A_219 = arith.constant 2 : i32
      %add3A_220 = arith.addi %add3A_218, %add3A_219 : i32
      %lt3A_221 = arith.cmpi slt, %add3A_220, %add3A_4 : i32
      %convert_element_type3A_222 = arith.extui %lt3A_221 : i1 to i32
      %cond3A_223 = arith.constant 0 : i32
      %cond3A_224 = arith.cmpi ne, %convert_element_type3A_222, %cond3A_223 : i32
      scf.if %cond3A_224 {
        %add3A_289 = arith.constant 2 : i32
        %add3A_290 = arith.addi %add3A_218, %add3A_289 : i32
        %add3A_291 = arith.addi %add3A_8, %add3A_290 : i32
        %mul3A_292 = arith.constant 128 : i32
        %mul3A_293 = arith.muli %add3A_291, %mul3A_292 : i32
        %dma_start3A_294 = arith.constant 0 : i32
        %dma_start3A_295 = tpu.memref_slice %arg3[%dma_start3A_294, %mul3A_293] : memref<2x320000xi32, #tpu.memory_space<hbm>> -> memref<2x128xi32, #tpu.memory_space<hbm>>
        %dma_start3A_296 = arith.constant 0 : i32
        %dma_start3A_297 = tpu.memref_slice %arg3[%dma_start3A_296, %mul3A_293] : memref<2x320000xi32, #tpu.memory_space<hbm>> -> memref<2x128xi32, #tpu.memory_space<hbm>>
        tpu.enqueue_dma source(%dma_start3A_297 : memref<2x128xi32, #tpu.memory_space<hbm>>) target(%arg6 : memref<2x128xi32, #tpu.memory_space<vmem>>) target_semaphore(%arg14 : memref<!tpu.dma_semaphore, #tpu.memory_space<semaphore_mem>>)
      } else {
      }
      %dma_wait3A_225 = arith.constant 0 : i32
      %dma_wait3A_226 = arith.constant 0 : i32
      %dma_wait3A_227 = tpu.memref_slice %arg8[%dma_wait3A_225, %dma_wait3A_226] : memref<2x128xi32, #tpu.memory_space<vmem>> -> memref<1x128xi32, #tpu.memory_space<vmem>>
      %dma_wait3A_228 = tpu.memref_squeeze %dma_wait3A_227 : memref<1x128xi32, #tpu.memory_space<vmem>> -> memref<128xi32, #tpu.memory_space<vmem>>
      %dma_wait3A_229 = arith.constant 0 : i32
      %dma_wait3A_230 = arith.constant 0 : i32
      %dma_wait3A_231 = tpu.memref_slice %arg2[%dma_wait3A_229, %dma_wait3A_230] : memref<10000x128xf32, #tpu.memory_space<hbm>> -> memref<10000x128xf32, #tpu.memory_space<hbm>>
      tpu.wait_indirect_dma semaphore(%arg12 : memref<!tpu.dma_semaphore, #tpu.memory_space<semaphore_mem>>) src(%dma_wait3A_231 : memref<10000x128xf32, #tpu.memory_space<hbm>>) dst(%arg10 : memref<128x128xf32, #tpu.memory_space<vmem>>)
      %dma_start3A_232 = arith.constant 1 : i32
      %dma_start3A_233 = arith.constant 0 : i32
      %dma_start3A_234 = tpu.memref_slice %arg8[%dma_start3A_232, %dma_start3A_233] : memref<2x128xi32, #tpu.memory_space<vmem>> -> memref<1x128xi32, #tpu.memory_space<vmem>>
      %dma_start3A_235 = tpu.memref_squeeze %dma_start3A_234 : memref<1x128xi32, #tpu.memory_space<vmem>> -> memref<128xi32, #tpu.memory_space<vmem>>
      %dma_start3A_236 = arith.constant 0 : i32
      %dma_start3A_237 = arith.constant 0 : i32
      %dma_start3A_238 = tpu.memref_slice %arg5[%dma_start3A_236, %dma_start3A_237] : memref<10000x128xf32, #tpu.memory_space<vmem_shared>> -> memref<10000x128xf32, #tpu.memory_space<vmem_shared>>
      tpu.enqueue_indirect_dma source(%arg10 : memref<128x128xf32, #tpu.memory_space<vmem>>) target(%dma_start3A_238 : memref<10000x128xf32, #tpu.memory_space<vmem_shared>>) offsets(%dma_start3A_235 : memref<128xi32, #tpu.memory_space<vmem>>) semaphore(%arg18 : memref<!tpu.dma_semaphore, #tpu.memory_space<semaphore_mem>>) {add = true}
      %dma_wait3A_239 = arith.constant 1 : i32
      %dma_wait3A_240 = arith.constant 0 : i32
      %dma_wait3A_241 = tpu.memref_slice %arg6[%dma_wait3A_239, %dma_wait3A_240] : memref<2x128xi32, #tpu.memory_space<vmem>> -> memref<1x128xi32, #tpu.memory_space<vmem>>
      %dma_wait3A_242 = tpu.memref_squeeze %dma_wait3A_241 : memref<1x128xi32, #tpu.memory_space<vmem>> -> memref<128xi32, #tpu.memory_space<vmem>>
      %dma_wait3A_243 = arith.constant 0 : i32
      %dma_wait3A_244 = arith.constant 0 : i32
      %dma_wait3A_245 = tpu.memref_slice %arg5[%dma_wait3A_243, %dma_wait3A_244] : memref<10000x128xf32, #tpu.memory_space<vmem_shared>> -> memref<10000x128xf32, #tpu.memory_space<vmem_shared>>
      tpu.wait_indirect_dma semaphore(%arg18 : memref<!tpu.dma_semaphore, #tpu.memory_space<semaphore_mem>>) src(%arg10 : memref<128x128xf32, #tpu.memory_space<vmem>>) dst(%dma_wait3A_245 : memref<10000x128xf32, #tpu.memory_space<vmem_shared>>)
      %add3A_246 = arith.constant 2 : i32
      %add3A_247 = arith.addi %add3A_218, %add3A_246 : i32
      %lt3A_248 = arith.cmpi slt, %add3A_247, %add3A_4 : i32
      %convert_element_type3A_249 = arith.extui %lt3A_248 : i1 to i32
      %cond3A_250 = arith.constant 0 : i32
      %cond3A_251 = arith.cmpi ne, %convert_element_type3A_249, %cond3A_250 : i32
      scf.if %cond3A_251 {
        %dma_wait3A_289 = arith.constant 0 : i32
        %dma_wait3A_290 = arith.constant 0 : i32
        %dma_wait3A_291 = tpu.memref_slice %arg3[%dma_wait3A_289, %dma_wait3A_290] : memref<2x320000xi32, #tpu.memory_space<hbm>> -> memref<2x128xi32, #tpu.memory_space<hbm>>
        %dma_wait3A_292 = arith.constant 0 : i32
        %dma_wait3A_293 = arith.constant 0 : i32
        %dma_wait3A_294 = tpu.memref_slice %arg3[%dma_wait3A_292, %dma_wait3A_293] : memref<2x320000xi32, #tpu.memory_space<hbm>> -> memref<2x128xi32, #tpu.memory_space<hbm>>
        tpu.wait_dma2 semaphore(%arg14 : memref<!tpu.dma_semaphore, #tpu.memory_space<semaphore_mem>>) src(%dma_wait3A_294 : memref<2x128xi32, #tpu.memory_space<hbm>>) dst(%arg6 : memref<2x128xi32, #tpu.memory_space<vmem>>)
        %add3A_295 = arith.constant 2 : i32
        %add3A_296 = arith.addi %add3A_218, %add3A_295 : i32
        %dma_start3A_297 = arith.constant 0 : i32
        %dma_start3A_298 = arith.constant 0 : i32
        %dma_start3A_299 = tpu.memref_slice %arg6[%dma_start3A_297, %dma_start3A_298] : memref<2x128xi32, #tpu.memory_space<vmem>> -> memref<1x128xi32, #tpu.memory_space<vmem>>
        %dma_start3A_300 = tpu.memref_squeeze %dma_start3A_299 : memref<1x128xi32, #tpu.memory_space<vmem>> -> memref<128xi32, #tpu.memory_space<vmem>>
        %dma_start3A_301 = arith.constant 0 : i32
        %dma_start3A_302 = arith.constant 0 : i32
        %dma_start3A_303 = tpu.memref_slice %arg2[%dma_start3A_301, %dma_start3A_302] : memref<10000x128xf32, #tpu.memory_space<hbm>> -> memref<10000x128xf32, #tpu.memory_space<hbm>>
        tpu.enqueue_indirect_dma source(%dma_start3A_303 : memref<10000x128xf32, #tpu.memory_space<hbm>>) target(%arg10 : memref<128x128xf32, #tpu.memory_space<vmem>>) offsets(%dma_start3A_300 : memref<128xi32, #tpu.memory_space<vmem>>) semaphore(%arg12 : memref<!tpu.dma_semaphore, #tpu.memory_space<semaphore_mem>>)
      } else {
      }
      %mul3A_252 = arith.constant 4 : i32
      %mul3A_253 = arith.muli %mul3A_252, %scan3A_140 : i32
      %add3A_254 = arith.constant 3 : i32
      %add3A_255 = arith.addi %mul3A_253, %add3A_254 : i32
      %add3A_256 = arith.constant 2 : i32
      %add3A_257 = arith.addi %add3A_255, %add3A_256 : i32
      %lt3A_258 = arith.cmpi slt, %add3A_257, %add3A_4 : i32
      %convert_element_type3A_259 = arith.extui %lt3A_258 : i1 to i32
      %cond3A_260 = arith.constant 0 : i32
      %cond3A_261 = arith.cmpi ne, %convert_element_type3A_259, %cond3A_260 : i32
      scf.if %cond3A_261 {
        %add3A_289 = arith.constant 2 : i32
        %add3A_290 = arith.addi %add3A_255, %add3A_289 : i32
        %add3A_291 = arith.addi %add3A_8, %add3A_290 : i32
        %mul3A_292 = arith.constant 128 : i32
        %mul3A_293 = arith.muli %add3A_291, %mul3A_292 : i32
        %dma_start3A_294 = arith.constant 0 : i32
        %dma_start3A_295 = tpu.memref_slice %arg3[%dma_start3A_294, %mul3A_293] : memref<2x320000xi32, #tpu.memory_space<hbm>> -> memref<2x128xi32, #tpu.memory_space<hbm>>
        %dma_start3A_296 = arith.constant 0 : i32
        %dma_start3A_297 = tpu.memref_slice %arg3[%dma_start3A_296, %mul3A_293] : memref<2x320000xi32, #tpu.memory_space<hbm>> -> memref<2x128xi32, #tpu.memory_space<hbm>>
        tpu.enqueue_dma source(%dma_start3A_297 : memref<2x128xi32, #tpu.memory_space<hbm>>) target(%arg7 : memref<2x128xi32, #tpu.memory_space<vmem>>) target_semaphore(%arg15 : memref<!tpu.dma_semaphore, #tpu.memory_space<semaphore_mem>>)
      } else {
      }
      %dma_wait3A_262 = arith.constant 0 : i32
      %dma_wait3A_263 = arith.constant 0 : i32
      %dma_wait3A_264 = tpu.memref_slice %arg9[%dma_wait3A_262, %dma_wait3A_263] : memref<2x128xi32, #tpu.memory_space<vmem>> -> memref<1x128xi32, #tpu.memory_space<vmem>>
      %dma_wait3A_265 = tpu.memref_squeeze %dma_wait3A_264 : memref<1x128xi32, #tpu.memory_space<vmem>> -> memref<128xi32, #tpu.memory_space<vmem>>
      %dma_wait3A_266 = arith.constant 0 : i32
      %dma_wait3A_267 = arith.constant 0 : i32
      %dma_wait3A_268 = tpu.memref_slice %arg2[%dma_wait3A_266, %dma_wait3A_267] : memref<10000x128xf32, #tpu.memory_space<hbm>> -> memref<10000x128xf32, #tpu.memory_space<hbm>>
      tpu.wait_indirect_dma semaphore(%arg13 : memref<!tpu.dma_semaphore, #tpu.memory_space<semaphore_mem>>) src(%dma_wait3A_268 : memref<10000x128xf32, #tpu.memory_space<hbm>>) dst(%arg11 : memref<128x128xf32, #tpu.memory_space<vmem>>)
      %dma_start3A_269 = arith.constant 1 : i32
      %dma_start3A_270 = arith.constant 0 : i32
      %dma_start3A_271 = tpu.memref_slice %arg9[%dma_start3A_269, %dma_start3A_270] : memref<2x128xi32, #tpu.memory_space<vmem>> -> memref<1x128xi32, #tpu.memory_space<vmem>>
      %dma_start3A_272 = tpu.memref_squeeze %dma_start3A_271 : memref<1x128xi32, #tpu.memory_space<vmem>> -> memref<128xi32, #tpu.memory_space<vmem>>
      %dma_start3A_273 = arith.constant 0 : i32
      %dma_start3A_274 = arith.constant 0 : i32
      %dma_start3A_275 = tpu.memref_slice %arg5[%dma_start3A_273, %dma_start3A_274] : memref<10000x128xf32, #tpu.memory_space<vmem_shared>> -> memref<10000x128xf32, #tpu.memory_space<vmem_shared>>
      tpu.enqueue_indirect_dma source(%arg11 : memref<128x128xf32, #tpu.memory_space<vmem>>) target(%dma_start3A_275 : memref<10000x128xf32, #tpu.memory_space<vmem_shared>>) offsets(%dma_start3A_272 : memref<128xi32, #tpu.memory_space<vmem>>) semaphore(%arg19 : memref<!tpu.dma_semaphore, #tpu.memory_space<semaphore_mem>>) {add = true}
      %dma_wait3A_276 = arith.constant 1 : i32
      %dma_wait3A_277 = arith.constant 0 : i32
      %dma_wait3A_278 = tpu.memref_slice %arg6[%dma_wait3A_276, %dma_wait3A_277] : memref<2x128xi32, #tpu.memory_space<vmem>> -> memref<1x128xi32, #tpu.memory_space<vmem>>
      %dma_wait3A_279 = tpu.memref_squeeze %dma_wait3A_278 : memref<1x128xi32, #tpu.memory_space<vmem>> -> memref<128xi32, #tpu.memory_space<vmem>>
      %dma_wait3A_280 = arith.constant 0 : i32
      %dma_wait3A_281 = arith.constant 0 : i32
      %dma_wait3A_282 = tpu.memref_slice %arg5[%dma_wait3A_280, %dma_wait3A_281] : memref<10000x128xf32, #tpu.memory_space<vmem_shared>> -> memref<10000x128xf32, #tpu.memory_space<vmem_shared>>
      tpu.wait_indirect_dma semaphore(%arg19 : memref<!tpu.dma_semaphore, #tpu.memory_space<semaphore_mem>>) src(%arg11 : memref<128x128xf32, #tpu.memory_space<vmem>>) dst(%dma_wait3A_282 : memref<10000x128xf32, #tpu.memory_space<vmem_shared>>)
      %add3A_283 = arith.constant 2 : i32
      %add3A_284 = arith.addi %add3A_255, %add3A_283 : i32
      %lt3A_285 = arith.cmpi slt, %add3A_284, %add3A_4 : i32
      %convert_element_type3A_286 = arith.extui %lt3A_285 : i1 to i32
      %cond3A_287 = arith.constant 0 : i32
      %cond3A_288 = arith.cmpi ne, %convert_element_type3A_286, %cond3A_287 : i32
      scf.if %cond3A_288 {
        %dma_wait3A_289 = arith.constant 0 : i32
        %dma_wait3A_290 = arith.constant 0 : i32
        %dma_wait3A_291 = tpu.memref_slice %arg3[%dma_wait3A_289, %dma_wait3A_290] : memref<2x320000xi32, #tpu.memory_space<hbm>> -> memref<2x128xi32, #tpu.memory_space<hbm>>
        %dma_wait3A_292 = arith.constant 0 : i32
        %dma_wait3A_293 = arith.constant 0 : i32
        %dma_wait3A_294 = tpu.memref_slice %arg3[%dma_wait3A_292, %dma_wait3A_293] : memref<2x320000xi32, #tpu.memory_space<hbm>> -> memref<2x128xi32, #tpu.memory_space<hbm>>
        tpu.wait_dma2 semaphore(%arg15 : memref<!tpu.dma_semaphore, #tpu.memory_space<semaphore_mem>>) src(%dma_wait3A_294 : memref<2x128xi32, #tpu.memory_space<hbm>>) dst(%arg7 : memref<2x128xi32, #tpu.memory_space<vmem>>)
        %add3A_295 = arith.constant 2 : i32
        %add3A_296 = arith.addi %add3A_255, %add3A_295 : i32
        %dma_start3A_297 = arith.constant 0 : i32
        %dma_start3A_298 = arith.constant 0 : i32
        %dma_start3A_299 = tpu.memref_slice %arg7[%dma_start3A_297, %dma_start3A_298] : memref<2x128xi32, #tpu.memory_space<vmem>> -> memref<1x128xi32, #tpu.memory_space<vmem>>
        %dma_start3A_300 = tpu.memref_squeeze %dma_start3A_299 : memref<1x128xi32, #tpu.memory_space<vmem>> -> memref<128xi32, #tpu.memory_space<vmem>>
        %dma_start3A_301 = arith.constant 0 : i32
        %dma_start3A_302 = arith.constant 0 : i32
        %dma_start3A_303 = tpu.memref_slice %arg2[%dma_start3A_301, %dma_start3A_302] : memref<10000x128xf32, #tpu.memory_space<hbm>> -> memref<10000x128xf32, #tpu.memory_space<hbm>>
        tpu.enqueue_indirect_dma source(%dma_start3A_303 : memref<10000x128xf32, #tpu.memory_space<hbm>>) target(%arg11 : memref<128x128xf32, #tpu.memory_space<vmem>>) offsets(%dma_start3A_300 : memref<128xi32, #tpu.memory_space<vmem>>) semaphore(%arg13 : memref<!tpu.dma_semaphore, #tpu.memory_space<semaphore_mem>>)
      } else {
      }
    }
    %scan3A_62 = arith.constant 19 : i32
    %gt3A = arith.constant 78 : i32
    %gt3A_63 = arith.cmpi sgt, %add3A_4, %gt3A : i32
    %convert_element_type3A_64 = arith.extui %gt3A_63 : i1 to i32
    %cond3A_65 = arith.constant 0 : i32
    %cond3A_66 = arith.cmpi ne, %convert_element_type3A_64, %cond3A_65 : i32
    scf.if %cond3A_66 {
      %add3A_140 = arith.constant 78 : i32
      %add3A_141 = arith.addi %add3A_8, %add3A_140 : i32
      %mul3A_142 = arith.constant 128 : i32
      %mul3A_143 = arith.muli %add3A_141, %mul3A_142 : i32
      %dma_start3A_144 = arith.constant 0 : i32
      %dma_start3A_145 = tpu.memref_slice %arg3[%dma_start3A_144, %mul3A_143] : memref<2x320000xi32, #tpu.memory_space<hbm>> -> memref<2x128xi32, #tpu.memory_space<hbm>>
      %dma_start3A_146 = arith.constant 0 : i32
      %dma_start3A_147 = tpu.memref_slice %arg3[%dma_start3A_146, %mul3A_143] : memref<2x320000xi32, #tpu.memory_space<hbm>> -> memref<2x128xi32, #tpu.memory_space<hbm>>
      tpu.enqueue_dma source(%dma_start3A_147 : memref<2x128xi32, #tpu.memory_space<hbm>>) target(%arg8 : memref<2x128xi32, #tpu.memory_space<vmem>>) target_semaphore(%arg16 : memref<!tpu.dma_semaphore, #tpu.memory_space<semaphore_mem>>)
    } else {
    }
    %dma_wait3A_67 = arith.constant 0 : i32
    %dma_wait3A_68 = arith.constant 0 : i32
    %dma_wait3A_69 = tpu.memref_slice %arg6[%dma_wait3A_67, %dma_wait3A_68] : memref<2x128xi32, #tpu.memory_space<vmem>> -> memref<1x128xi32, #tpu.memory_space<vmem>>
    %dma_wait3A_70 = tpu.memref_squeeze %dma_wait3A_69 : memref<1x128xi32, #tpu.memory_space<vmem>> -> memref<128xi32, #tpu.memory_space<vmem>>
    %dma_wait3A_71 = arith.constant 0 : i32
    %dma_wait3A_72 = arith.constant 0 : i32
    %dma_wait3A_73 = tpu.memref_slice %arg2[%dma_wait3A_71, %dma_wait3A_72] : memref<10000x128xf32, #tpu.memory_space<hbm>> -> memref<10000x128xf32, #tpu.memory_space<hbm>>
    tpu.wait_indirect_dma semaphore(%arg12 : memref<!tpu.dma_semaphore, #tpu.memory_space<semaphore_mem>>) src(%dma_wait3A_73 : memref<10000x128xf32, #tpu.memory_space<hbm>>) dst(%arg10 : memref<128x128xf32, #tpu.memory_space<vmem>>)
    %dma_start3A_74 = arith.constant 1 : i32
    %dma_start3A_75 = arith.constant 0 : i32
    %dma_start3A_76 = tpu.memref_slice %arg6[%dma_start3A_74, %dma_start3A_75] : memref<2x128xi32, #tpu.memory_space<vmem>> -> memref<1x128xi32, #tpu.memory_space<vmem>>
    %dma_start3A_77 = tpu.memref_squeeze %dma_start3A_76 : memref<1x128xi32, #tpu.memory_space<vmem>> -> memref<128xi32, #tpu.memory_space<vmem>>
    %dma_start3A_78 = arith.constant 0 : i32
    %dma_start3A_79 = arith.constant 0 : i32
    %dma_start3A_80 = tpu.memref_slice %arg5[%dma_start3A_78, %dma_start3A_79] : memref<10000x128xf32, #tpu.memory_space<vmem_shared>> -> memref<10000x128xf32, #tpu.memory_space<vmem_shared>>
    tpu.enqueue_indirect_dma source(%arg10 : memref<128x128xf32, #tpu.memory_space<vmem>>) target(%dma_start3A_80 : memref<10000x128xf32, #tpu.memory_space<vmem_shared>>) offsets(%dma_start3A_77 : memref<128xi32, #tpu.memory_space<vmem>>) semaphore(%arg18 : memref<!tpu.dma_semaphore, #tpu.memory_space<semaphore_mem>>) {add = true}
    %dma_wait3A_81 = arith.constant 1 : i32
    %dma_wait3A_82 = arith.constant 0 : i32
    %dma_wait3A_83 = tpu.memref_slice %arg6[%dma_wait3A_81, %dma_wait3A_82] : memref<2x128xi32, #tpu.memory_space<vmem>> -> memref<1x128xi32, #tpu.memory_space<vmem>>
    %dma_wait3A_84 = tpu.memref_squeeze %dma_wait3A_83 : memref<1x128xi32, #tpu.memory_space<vmem>> -> memref<128xi32, #tpu.memory_space<vmem>>
    %dma_wait3A_85 = arith.constant 0 : i32
    %dma_wait3A_86 = arith.constant 0 : i32
    %dma_wait3A_87 = tpu.memref_slice %arg5[%dma_wait3A_85, %dma_wait3A_86] : memref<10000x128xf32, #tpu.memory_space<vmem_shared>> -> memref<10000x128xf32, #tpu.memory_space<vmem_shared>>
    tpu.wait_indirect_dma semaphore(%arg18 : memref<!tpu.dma_semaphore, #tpu.memory_space<semaphore_mem>>) src(%arg10 : memref<128x128xf32, #tpu.memory_space<vmem>>) dst(%dma_wait3A_87 : memref<10000x128xf32, #tpu.memory_space<vmem_shared>>)
    %gt3A_88 = arith.constant 78 : i32
    %gt3A_89 = arith.cmpi sgt, %add3A_4, %gt3A_88 : i32
    %convert_element_type3A_90 = arith.extui %gt3A_89 : i1 to i32
    %cond3A_91 = arith.constant 0 : i32
    %cond3A_92 = arith.cmpi ne, %convert_element_type3A_90, %cond3A_91 : i32
    scf.if %cond3A_92 {
      %dma_wait3A_140 = arith.constant 0 : i32
      %dma_wait3A_141 = arith.constant 0 : i32
      %dma_wait3A_142 = tpu.memref_slice %arg3[%dma_wait3A_140, %dma_wait3A_141] : memref<2x320000xi32, #tpu.memory_space<hbm>> -> memref<2x128xi32, #tpu.memory_space<hbm>>
      %dma_wait3A_143 = arith.constant 0 : i32
      %dma_wait3A_144 = arith.constant 0 : i32
      %dma_wait3A_145 = tpu.memref_slice %arg3[%dma_wait3A_143, %dma_wait3A_144] : memref<2x320000xi32, #tpu.memory_space<hbm>> -> memref<2x128xi32, #tpu.memory_space<hbm>>
      tpu.wait_dma2 semaphore(%arg16 : memref<!tpu.dma_semaphore, #tpu.memory_space<semaphore_mem>>) src(%dma_wait3A_145 : memref<2x128xi32, #tpu.memory_space<hbm>>) dst(%arg8 : memref<2x128xi32, #tpu.memory_space<vmem>>)
      %dma_start3A_146 = arith.constant 0 : i32
      %dma_start3A_147 = arith.constant 0 : i32
      %dma_start3A_148 = tpu.memref_slice %arg8[%dma_start3A_146, %dma_start3A_147] : memref<2x128xi32, #tpu.memory_space<vmem>> -> memref<1x128xi32, #tpu.memory_space<vmem>>
      %dma_start3A_149 = tpu.memref_squeeze %dma_start3A_148 : memref<1x128xi32, #tpu.memory_space<vmem>> -> memref<128xi32, #tpu.memory_space<vmem>>
      %dma_start3A_150 = arith.constant 0 : i32
      %dma_start3A_151 = arith.constant 0 : i32
      %dma_start3A_152 = tpu.memref_slice %arg2[%dma_start3A_150, %dma_start3A_151] : memref<10000x128xf32, #tpu.memory_space<hbm>> -> memref<10000x128xf32, #tpu.memory_space<hbm>>
      tpu.enqueue_indirect_dma source(%dma_start3A_152 : memref<10000x128xf32, #tpu.memory_space<hbm>>) target(%arg10 : memref<128x128xf32, #tpu.memory_space<vmem>>) offsets(%dma_start3A_149 : memref<128xi32, #tpu.memory_space<vmem>>) semaphore(%arg12 : memref<!tpu.dma_semaphore, #tpu.memory_space<semaphore_mem>>)
    } else {
    }
    %gt3A_93 = arith.constant 79 : i32
    %gt3A_94 = arith.cmpi sgt, %add3A_4, %gt3A_93 : i32
    %convert_element_type3A_95 = arith.extui %gt3A_94 : i1 to i32
    %cond3A_96 = arith.constant 0 : i32
    %cond3A_97 = arith.cmpi ne, %convert_element_type3A_95, %cond3A_96 : i32
    scf.if %cond3A_97 {
      %add3A_140 = arith.constant 79 : i32
      %add3A_141 = arith.addi %add3A_8, %add3A_140 : i32
      %mul3A_142 = arith.constant 128 : i32
      %mul3A_143 = arith.muli %add3A_141, %mul3A_142 : i32
      %dma_start3A_144 = arith.constant 0 : i32
      %dma_start3A_145 = tpu.memref_slice %arg3[%dma_start3A_144, %mul3A_143] : memref<2x320000xi32, #tpu.memory_space<hbm>> -> memref<2x128xi32, #tpu.memory_space<hbm>>
      %dma_start3A_146 = arith.constant 0 : i32
      %dma_start3A_147 = tpu.memref_slice %arg3[%dma_start3A_146, %mul3A_143] : memref<2x320000xi32, #tpu.memory_space<hbm>> -> memref<2x128xi32, #tpu.memory_space<hbm>>
      tpu.enqueue_dma source(%dma_start3A_147 : memref<2x128xi32, #tpu.memory_space<hbm>>) target(%arg9 : memref<2x128xi32, #tpu.memory_space<vmem>>) target_semaphore(%arg17 : memref<!tpu.dma_semaphore, #tpu.memory_space<semaphore_mem>>)
    } else {
    }
    %dma_wait3A_98 = arith.constant 0 : i32
    %dma_wait3A_99 = arith.constant 0 : i32
    %dma_wait3A_100 = tpu.memref_slice %arg7[%dma_wait3A_98, %dma_wait3A_99] : memref<2x128xi32, #tpu.memory_space<vmem>> -> memref<1x128xi32, #tpu.memory_space<vmem>>
    %dma_wait3A_101 = tpu.memref_squeeze %dma_wait3A_100 : memref<1x128xi32, #tpu.memory_space<vmem>> -> memref<128xi32, #tpu.memory_space<vmem>>
    %dma_wait3A_102 = arith.constant 0 : i32
    %dma_wait3A_103 = arith.constant 0 : i32
    %dma_wait3A_104 = tpu.memref_slice %arg2[%dma_wait3A_102, %dma_wait3A_103] : memref<10000x128xf32, #tpu.memory_space<hbm>> -> memref<10000x128xf32, #tpu.memory_space<hbm>>
    tpu.wait_indirect_dma semaphore(%arg13 : memref<!tpu.dma_semaphore, #tpu.memory_space<semaphore_mem>>) src(%dma_wait3A_104 : memref<10000x128xf32, #tpu.memory_space<hbm>>) dst(%arg11 : memref<128x128xf32, #tpu.memory_space<vmem>>)
    %dma_start3A_105 = arith.constant 1 : i32
    %dma_start3A_106 = arith.constant 0 : i32
    %dma_start3A_107 = tpu.memref_slice %arg7[%dma_start3A_105, %dma_start3A_106] : memref<2x128xi32, #tpu.memory_space<vmem>> -> memref<1x128xi32, #tpu.memory_space<vmem>>
    %dma_start3A_108 = tpu.memref_squeeze %dma_start3A_107 : memref<1x128xi32, #tpu.memory_space<vmem>> -> memref<128xi32, #tpu.memory_space<vmem>>
    %dma_start3A_109 = arith.constant 0 : i32
    %dma_start3A_110 = arith.constant 0 : i32
    %dma_start3A_111 = tpu.memref_slice %arg5[%dma_start3A_109, %dma_start3A_110] : memref<10000x128xf32, #tpu.memory_space<vmem_shared>> -> memref<10000x128xf32, #tpu.memory_space<vmem_shared>>
    tpu.enqueue_indirect_dma source(%arg11 : memref<128x128xf32, #tpu.memory_space<vmem>>) target(%dma_start3A_111 : memref<10000x128xf32, #tpu.memory_space<vmem_shared>>) offsets(%dma_start3A_108 : memref<128xi32, #tpu.memory_space<vmem>>) semaphore(%arg19 : memref<!tpu.dma_semaphore, #tpu.memory_space<semaphore_mem>>) {add = true}
    %dma_wait3A_112 = arith.constant 1 : i32
    %dma_wait3A_113 = arith.constant 0 : i32
    %dma_wait3A_114 = tpu.memref_slice %arg6[%dma_wait3A_112, %dma_wait3A_113] : memref<2x128xi32, #tpu.memory_space<vmem>> -> memref<1x128xi32, #tpu.memory_space<vmem>>
    %dma_wait3A_115 = tpu.memref_squeeze %dma_wait3A_114 : memref<1x128xi32, #tpu.memory_space<vmem>> -> memref<128xi32, #tpu.memory_space<vmem>>
    %dma_wait3A_116 = arith.constant 0 : i32
    %dma_wait3A_117 = arith.constant 0 : i32
    %dma_wait3A_118 = tpu.memref_slice %arg5[%dma_wait3A_116, %dma_wait3A_117] : memref<10000x128xf32, #tpu.memory_space<vmem_shared>> -> memref<10000x128xf32, #tpu.memory_space<vmem_shared>>
    tpu.wait_indirect_dma semaphore(%arg19 : memref<!tpu.dma_semaphore, #tpu.memory_space<semaphore_mem>>) src(%arg11 : memref<128x128xf32, #tpu.memory_space<vmem>>) dst(%dma_wait3A_118 : memref<10000x128xf32, #tpu.memory_space<vmem_shared>>)
    %gt3A_119 = arith.constant 79 : i32
    %gt3A_120 = arith.cmpi sgt, %add3A_4, %gt3A_119 : i32
    %convert_element_type3A_121 = arith.extui %gt3A_120 : i1 to i32
    %cond3A_122 = arith.constant 0 : i32
    %cond3A_123 = arith.cmpi ne, %convert_element_type3A_121, %cond3A_122 : i32
    scf.if %cond3A_123 {
      %dma_wait3A_140 = arith.constant 0 : i32
      %dma_wait3A_141 = arith.constant 0 : i32
      %dma_wait3A_142 = tpu.memref_slice %arg3[%dma_wait3A_140, %dma_wait3A_141] : memref<2x320000xi32, #tpu.memory_space<hbm>> -> memref<2x128xi32, #tpu.memory_space<hbm>>
      %dma_wait3A_143 = arith.constant 0 : i32
      %dma_wait3A_144 = arith.constant 0 : i32
      %dma_wait3A_145 = tpu.memref_slice %arg3[%dma_wait3A_143, %dma_wait3A_144] : memref<2x320000xi32, #tpu.memory_space<hbm>> -> memref<2x128xi32, #tpu.memory_space<hbm>>
      tpu.wait_dma2 semaphore(%arg17 : memref<!tpu.dma_semaphore, #tpu.memory_space<semaphore_mem>>) src(%dma_wait3A_145 : memref<2x128xi32, #tpu.memory_space<hbm>>) dst(%arg9 : memref<2x128xi32, #tpu.memory_space<vmem>>)
      %dma_start3A_146 = arith.constant 0 : i32
      %dma_start3A_147 = arith.constant 0 : i32
      %dma_start3A_148 = tpu.memref_slice %arg9[%dma_start3A_146, %dma_start3A_147] : memref<2x128xi32, #tpu.memory_space<vmem>> -> memref<1x128xi32, #tpu.memory_space<vmem>>
      %dma_start3A_149 = tpu.memref_squeeze %dma_start3A_148 : memref<1x128xi32, #tpu.memory_space<vmem>> -> memref<128xi32, #tpu.memory_space<vmem>>
      %dma_start3A_150 = arith.constant 0 : i32
      %dma_start3A_151 = arith.constant 0 : i32
      %dma_start3A_152 = tpu.memref_slice %arg2[%dma_start3A_150, %dma_start3A_151] : memref<10000x128xf32, #tpu.memory_space<hbm>> -> memref<10000x128xf32, #tpu.memory_space<hbm>>
      tpu.enqueue_indirect_dma source(%dma_start3A_152 : memref<10000x128xf32, #tpu.memory_space<hbm>>) target(%arg11 : memref<128x128xf32, #tpu.memory_space<vmem>>) offsets(%dma_start3A_149 : memref<128xi32, #tpu.memory_space<vmem>>) semaphore(%arg13 : memref<!tpu.dma_semaphore, #tpu.memory_space<semaphore_mem>>)
    } else {
    }
    %lt3A_124 = arith.constant 4 : i32
    %lt3A_125 = arith.cmpi slt, %add3A, %lt3A_124 : i32
    %convert_element_type3A_126 = arith.extui %lt3A_125 : i1 to i32
    %cond3A_127 = arith.constant 0 : i32
    %cond3A_128 = arith.cmpi ne, %convert_element_type3A_126, %cond3A_127 : i32
    scf.if %cond3A_128 {
      %dma_wait3A_140 = arith.constant 0 : i32
      %dma_wait3A_141 = arith.constant 0 : i32
      %dma_wait3A_142 = tpu.memref_slice %arg8[%dma_wait3A_140, %dma_wait3A_141] : memref<2x128xi32, #tpu.memory_space<vmem>> -> memref<1x128xi32, #tpu.memory_space<vmem>>
      %dma_wait3A_143 = tpu.memref_squeeze %dma_wait3A_142 : memref<1x128xi32, #tpu.memory_space<vmem>> -> memref<128xi32, #tpu.memory_space<vmem>>
      %dma_wait3A_144 = arith.constant 0 : i32
      %dma_wait3A_145 = arith.constant 0 : i32
      %dma_wait3A_146 = tpu.memref_slice %arg2[%dma_wait3A_144, %dma_wait3A_145] : memref<10000x128xf32, #tpu.memory_space<hbm>> -> memref<10000x128xf32, #tpu.memory_space<hbm>>
      tpu.wait_indirect_dma semaphore(%arg12 : memref<!tpu.dma_semaphore, #tpu.memory_space<semaphore_mem>>) src(%dma_wait3A_146 : memref<10000x128xf32, #tpu.memory_space<hbm>>) dst(%arg10 : memref<128x128xf32, #tpu.memory_space<vmem>>)
      %dma_start3A_147 = arith.constant 1 : i32
      %dma_start3A_148 = arith.constant 0 : i32
      %dma_start3A_149 = tpu.memref_slice %arg8[%dma_start3A_147, %dma_start3A_148] : memref<2x128xi32, #tpu.memory_space<vmem>> -> memref<1x128xi32, #tpu.memory_space<vmem>>
      %dma_start3A_150 = tpu.memref_squeeze %dma_start3A_149 : memref<1x128xi32, #tpu.memory_space<vmem>> -> memref<128xi32, #tpu.memory_space<vmem>>
      %dma_start3A_151 = arith.constant 0 : i32
      %dma_start3A_152 = arith.constant 0 : i32
      %dma_start3A_153 = tpu.memref_slice %arg5[%dma_start3A_151, %dma_start3A_152] : memref<10000x128xf32, #tpu.memory_space<vmem_shared>> -> memref<10000x128xf32, #tpu.memory_space<vmem_shared>>
      tpu.enqueue_indirect_dma source(%arg10 : memref<128x128xf32, #tpu.memory_space<vmem>>) target(%dma_start3A_153 : memref<10000x128xf32, #tpu.memory_space<vmem_shared>>) offsets(%dma_start3A_150 : memref<128xi32, #tpu.memory_space<vmem>>) semaphore(%arg18 : memref<!tpu.dma_semaphore, #tpu.memory_space<semaphore_mem>>) {add = true}
      %dma_wait3A_154 = arith.constant 1 : i32
      %dma_wait3A_155 = arith.constant 0 : i32
      %dma_wait3A_156 = tpu.memref_slice %arg6[%dma_wait3A_154, %dma_wait3A_155] : memref<2x128xi32, #tpu.memory_space<vmem>> -> memref<1x128xi32, #tpu.memory_space<vmem>>
      %dma_wait3A_157 = tpu.memref_squeeze %dma_wait3A_156 : memref<1x128xi32, #tpu.memory_space<vmem>> -> memref<128xi32, #tpu.memory_space<vmem>>
      %dma_wait3A_158 = arith.constant 0 : i32
      %dma_wait3A_159 = arith.constant 0 : i32
      %dma_wait3A_160 = tpu.memref_slice %arg5[%dma_wait3A_158, %dma_wait3A_159] : memref<10000x128xf32, #tpu.memory_space<vmem_shared>> -> memref<10000x128xf32, #tpu.memory_space<vmem_shared>>
      tpu.wait_indirect_dma semaphore(%arg18 : memref<!tpu.dma_semaphore, #tpu.memory_space<semaphore_mem>>) src(%arg10 : memref<128x128xf32, #tpu.memory_space<vmem>>) dst(%dma_wait3A_160 : memref<10000x128xf32, #tpu.memory_space<vmem_shared>>)
    } else {
    }
    %barrier3A_129 = arith.constant 0 : index
    tpu.barrier barrier_id(%barrier3A_129)
    %lt3A_130 = arith.constant 15 : i32
    %lt3A_131 = arith.cmpi slt, %arg1, %lt3A_130 : i32
    %convert_element_type3A_132 = arith.extui %lt3A_131 : i1 to i32
    %cond3A_133 = arith.constant 0 : i32
    %cond3A_134 = arith.cmpi ne, %convert_element_type3A_132, %cond3A_133 : i32
    scf.if %cond3A_134 {
      "tpu.region"() ({
        %run_scoped3A = tpu.sem_alloc : memref<!tpu.dma_semaphore, #tpu.memory_space<semaphore_mem>>
        %dma_start3A_140 = arith.constant 0 : i32
        %dma_start3A_141 = tpu.memref_slice %arg4[%arg0, %multiple_of3A, %dma_start3A_140] : memref<2x10000x128xf32, #tpu.memory_space<hbm>> -> memref<1x624x128xf32, #tpu.memory_space<hbm>>
        %dma_start3A_142 = tpu.memref_squeeze %dma_start3A_141 : memref<1x624x128xf32, #tpu.memory_space<hbm>> -> memref<624x128xf32, #tpu.memory_space<hbm>>
        %dma_start3A_143 = arith.constant 0 : i32
        %dma_start3A_144 = tpu.memref_slice %arg5[%multiple_of3A, %dma_start3A_143] : memref<10000x128xf32, #tpu.memory_space<vmem_shared>> -> memref<624x128xf32, #tpu.memory_space<vmem_shared>>
        tpu.enqueue_dma source(%dma_start3A_144 : memref<624x128xf32, #tpu.memory_space<vmem_shared>>) target(%dma_start3A_142 : memref<624x128xf32, #tpu.memory_space<hbm>>) target_semaphore(%run_scoped3A : memref<!tpu.dma_semaphore, #tpu.memory_space<semaphore_mem>>)
        %dma_wait3A_145 = arith.constant 0 : i32
        %dma_wait3A_146 = tpu.memref_slice %arg4[%arg0, %multiple_of3A, %dma_wait3A_145] : memref<2x10000x128xf32, #tpu.memory_space<hbm>> -> memref<1x624x128xf32, #tpu.memory_space<hbm>>
        %dma_wait3A_147 = tpu.memref_squeeze %dma_wait3A_146 : memref<1x624x128xf32, #tpu.memory_space<hbm>> -> memref<624x128xf32, #tpu.memory_space<hbm>>
        %dma_wait3A_148 = arith.constant 0 : i32
        %dma_wait3A_149 = tpu.memref_slice %arg5[%multiple_of3A, %dma_wait3A_148] : memref<10000x128xf32, #tpu.memory_space<vmem_shared>> -> memref<624x128xf32, #tpu.memory_space<vmem_shared>>
        tpu.wait_dma2 semaphore(%run_scoped3A : memref<!tpu.dma_semaphore, #tpu.memory_space<semaphore_mem>>) src(%dma_wait3A_149 : memref<624x128xf32, #tpu.memory_space<vmem_shared>>) dst(%dma_wait3A_147 : memref<624x128xf32, #tpu.memory_space<hbm>>)
        tpu.yield
      }) : () -> ()
    } else {
    }
    %eq3A_135 = arith.constant 15 : i32
    %eq3A_136 = arith.cmpi eq, %arg1, %eq3A_135 : i32
    %convert_element_type3A_137 = arith.extui %eq3A_136 : i1 to i32
    %cond3A_138 = arith.constant 0 : i32
    %cond3A_139 = arith.cmpi ne, %convert_element_type3A_137, %cond3A_138 : i32
    scf.if %cond3A_139 {
      "tpu.region"() ({
        %run_scoped3A = tpu.sem_alloc : memref<!tpu.dma_semaphore, #tpu.memory_space<semaphore_mem>>
        %dma_start3A_140 = arith.constant 0 : i32
        %dma_start3A_141 = tpu.memref_slice %arg4[%arg0, %multiple_of3A, %dma_start3A_140] : memref<2x10000x128xf32, #tpu.memory_space<hbm>> -> memref<1x640x128xf32, #tpu.memory_space<hbm>>
        %dma_start3A_142 = tpu.memref_squeeze %dma_start3A_141 : memref<1x640x128xf32, #tpu.memory_space<hbm>> -> memref<640x128xf32, #tpu.memory_space<hbm>>
        %dma_start3A_143 = arith.constant 0 : i32
        %dma_start3A_144 = tpu.memref_slice %arg5[%multiple_of3A, %dma_start3A_143] : memref<10000x128xf32, #tpu.memory_space<vmem_shared>> -> memref<640x128xf32, #tpu.memory_space<vmem_shared>>
        tpu.enqueue_dma source(%dma_start3A_144 : memref<640x128xf32, #tpu.memory_space<vmem_shared>>) target(%dma_start3A_142 : memref<640x128xf32, #tpu.memory_space<hbm>>) target_semaphore(%run_scoped3A : memref<!tpu.dma_semaphore, #tpu.memory_space<semaphore_mem>>)
        %dma_wait3A_145 = arith.constant 0 : i32
        %dma_wait3A_146 = tpu.memref_slice %arg4[%arg0, %multiple_of3A, %dma_wait3A_145] : memref<2x10000x128xf32, #tpu.memory_space<hbm>> -> memref<1x640x128xf32, #tpu.memory_space<hbm>>
        %dma_wait3A_147 = tpu.memref_squeeze %dma_wait3A_146 : memref<1x640x128xf32, #tpu.memory_space<hbm>> -> memref<640x128xf32, #tpu.memory_space<hbm>>
        %dma_wait3A_148 = arith.constant 0 : i32
        %dma_wait3A_149 = tpu.memref_slice %arg5[%multiple_of3A, %dma_wait3A_148] : memref<10000x128xf32, #tpu.memory_space<vmem_shared>> -> memref<640x128xf32, #tpu.memory_space<vmem_shared>>
        tpu.wait_dma2 semaphore(%run_scoped3A : memref<!tpu.dma_semaphore, #tpu.memory_space<semaphore_mem>>) src(%dma_wait3A_149 : memref<640x128xf32, #tpu.memory_space<vmem_shared>>) dst(%dma_wait3A_147 : memref<640x128xf32, #tpu.memory_space<hbm>>)
        tpu.yield
      }) : () -> ()
    } else {
    }
    return
  }
}

#map = affine_map<(d0, d1) -> (0, 0)>
#map1 = affine_map<(d0, d1) -> (0, 0, 0)>
module attributes {stable_mosaic.version = 14 : i64} {
  func.func @deg_kernel(%arg0: i32, %arg1: i32, %arg2: memref<2x320000xi32, #tpu.memory_space<hbm>>, %arg3: memref<2x1x10000xf32, #tpu.memory_space<hbm>>, %arg4: memref<10000xf32, #tpu.memory_space<vmem_shared>>, %arg5: memref<10000xf32, #tpu.memory_space<vmem>>, %arg6: memref<128xf32, #tpu.memory_space<vmem>>, %arg7: memref<79x2x128xi32, #tpu.memory_space<vmem>>, %arg8: memref<!tpu.dma_semaphore, #tpu.memory_space<semaphore_mem>>, %arg9: memref<!tpu.dma_semaphore, #tpu.memory_space<semaphore_mem>>) attributes {dimension_semantics = [#tpu.dimension_semantics<core_parallel>, #tpu.dimension_semantics<subcore_parallel>], iteration_bounds = array<i64: 2, 16>, scalar_prefetch = 0 : i64, scratch_operands = 6 : i64, tpu.core_type = #tpu.core_type<sc_vector_subcore>, window_params = [{transform_indices = #map}, {transform_indices = #map1}]} {
    %mul3A = arith.constant 2 : i32
    %mul3A_0 = arith.muli %arg1, %mul3A : i32
    %add3A = arith.addi %mul3A_0, %arg0 : i32
    %lt3A = arith.constant 4 : i32
    %lt3A_1 = arith.cmpi slt, %add3A, %lt3A : i32
    %jit3A = arith.constant 1 : i32
    %jit3A_2 = arith.constant 0 : i32
    %select_n3A = arith.select %lt3A_1, %jit3A, %jit3A_2 : i32
    %add3A_3 = arith.constant 78 : i32
    %add3A_4 = arith.addi %add3A_3, %select_n3A : i32
    %mul3A_5 = arith.constant 78 : i32
    %mul3A_6 = arith.muli %add3A, %mul3A_5 : i32
    %min3A = arith.constant 4 : i32
    %min3A_7 = arith.minsi %add3A, %min3A : i32
    %add3A_8 = arith.addi %mul3A_6, %min3A_7 : i32
    %scan3A = arith.constant 0 : i32
    %scan3A_9 = arith.constant 0 : i32
    %scan3A_10 = arith.constant 8 : i32
    %scan3A_11 = arith.addi %scan3A_9, %scan3A_10 : i32
    %scan3A_12 = arith.constant 1 : i32
    scf.for %scan3A_216 = %scan3A_9 to %scan3A_11 step %scan3A_12  : i32 {
      %broadcast_in_dim3A = arith.constant 1.000000e+00 : f32
      %broadcast_in_dim3A_217 = vector.broadcast %broadcast_in_dim3A : f32 to vector<16xf32>
      %mul3A_218 = arith.constant 16 : i32
      %mul3A_219 = arith.muli %scan3A_216, %mul3A_218 : i32
      %swap3A = arith.index_cast %mul3A_219 : i32 to index
      %swap3A_220 = tpu.vector_load %arg6[%swap3A] {strides = array<i32>} : memref<128xf32, #tpu.memory_space<vmem>>, vector<16xf32>,
      %swap3A_221 = vector.shape_cast %swap3A_220 : vector<16xf32> to vector<16xf32>
      %swap3A_222 = vector.shape_cast %broadcast_in_dim3A_217 : vector<16xf32> to vector<16xf32>
      tpu.vector_store %arg6[%swap3A], %swap3A_222 {strides = array<i32>} : memref<128xf32, #tpu.memory_space<vmem>>, vector<16xf32>,
    }
    %scan3A_13 = arith.constant 8 : i32
    %eq3A = arith.constant 0 : i32
    %eq3A_14 = arith.cmpi eq, %arg1, %eq3A : i32
    %convert_element_type3A = arith.extui %eq3A_14 : i1 to i32
    %cond3A = arith.constant 0 : i32
    %cond3A_15 = arith.cmpi ne, %convert_element_type3A, %cond3A : i32
    scf.if %cond3A_15 {
      %scan3A_216 = arith.constant 0 : i32
      %scan3A_217 = arith.constant 0 : i32
      %scan3A_218 = arith.constant 625 : i32
      %scan3A_219 = arith.addi %scan3A_217, %scan3A_218 : i32
      %scan3A_220 = arith.constant 1 : i32
      scf.for %scan3A_222 = %scan3A_217 to %scan3A_219 step %scan3A_220  : i32 {
        %broadcast_in_dim3A = arith.constant 0.000000e+00 : f32
        %broadcast_in_dim3A_223 = vector.broadcast %broadcast_in_dim3A : f32 to vector<16xf32>
        %mul3A_224 = arith.constant 16 : i32
        %mul3A_225 = arith.muli %scan3A_222, %mul3A_224 : i32
        %swap3A = arith.index_cast %mul3A_225 : i32 to index
        %swap3A_226 = tpu.vector_load %arg5[%swap3A] {strides = array<i32>} : memref<10000xf32, #tpu.memory_space<vmem>>, vector<16xf32>,
        %swap3A_227 = vector.shape_cast %swap3A_226 : vector<16xf32> to vector<16xf32>
        %swap3A_228 = vector.shape_cast %broadcast_in_dim3A_223 : vector<16xf32> to vector<16xf32>
        tpu.vector_store %arg5[%swap3A], %swap3A_228 {strides = array<i32>} : memref<10000xf32, #tpu.memory_space<vmem>>, vector<16xf32>,
      }
      %scan3A_221 = arith.constant 625 : i32
      "tpu.region"() ({
        %run_scoped3A = tpu.sem_alloc : memref<!tpu.dma_semaphore, #tpu.memory_space<semaphore_mem>>
        tpu.enqueue_dma source(%arg5 : memref<10000xf32, #tpu.memory_space<vmem>>) target(%arg4 : memref<10000xf32, #tpu.memory_space<vmem_shared>>) target_semaphore(%run_scoped3A : memref<!tpu.dma_semaphore, #tpu.memory_space<semaphore_mem>>)
        tpu.wait_dma2 semaphore(%run_scoped3A : memref<!tpu.dma_semaphore, #tpu.memory_space<semaphore_mem>>) src(%arg5 : memref<10000xf32, #tpu.memory_space<vmem>>) dst(%arg4 : memref<10000xf32, #tpu.memory_space<vmem_shared>>)
        tpu.yield
      }) : () -> ()
    } else {
    }
    %while3A = arith.constant 0 : i32
    %while3A_16 = arith.constant 0 : i32
    %while3A_17 = arith.subi %add3A_4, %while3A_16 : i32
    %while3A_18 = arith.addi %while3A_16, %while3A_17 : i32
    %while3A_19 = arith.constant 1 : i32
    %while3A_20 = arith.divsi %while3A_17, %while3A_19 : i32
    %while3A_21 = arith.muli %while3A_20, %while3A_19 : i32
    %while3A_22 = arith.addi %while3A_16, %while3A_21 : i32
    %while3A_23 = arith.constant 1 : i32
    scf.for %while3A_216 = %while3A_16 to %while3A_22 step %while3A_23  : i32 {
      %add3A_217 = arith.addi %add3A_8, %while3A_216 : i32
      %mul3A_218 = arith.constant 128 : i32
      %mul3A_219 = arith.muli %add3A_217, %mul3A_218 : i32
      %dma_start3A = arith.constant 0 : i32
      %dma_start3A_220 = arith.constant 0 : i32
      %dma_start3A_221 = tpu.memref_slice %arg7[%while3A_216, %dma_start3A, %dma_start3A_220] : memref<79x2x128xi32, #tpu.memory_space<vmem>> -> memref<1x2x128xi32, #tpu.memory_space<vmem>>
      %dma_start3A_222 = tpu.memref_squeeze %dma_start3A_221 : memref<1x2x128xi32, #tpu.memory_space<vmem>> -> memref<2x128xi32, #tpu.memory_space<vmem>>
      %dma_start3A_223 = arith.constant 0 : i32
      %dma_start3A_224 = tpu.memref_slice %arg2[%dma_start3A_223, %mul3A_219] : memref<2x320000xi32, #tpu.memory_space<hbm>> -> memref<2x128xi32, #tpu.memory_space<hbm>>
      %dma_start3A_225 = arith.constant 0 : i32
      %dma_start3A_226 = arith.constant 0 : i32
      %dma_start3A_227 = tpu.memref_slice %arg7[%while3A_216, %dma_start3A_225, %dma_start3A_226] : memref<79x2x128xi32, #tpu.memory_space<vmem>> -> memref<1x2x128xi32, #tpu.memory_space<vmem>>
      %dma_start3A_228 = tpu.memref_squeeze %dma_start3A_227 : memref<1x2x128xi32, #tpu.memory_space<vmem>> -> memref<2x128xi32, #tpu.memory_space<vmem>>
      %dma_start3A_229 = arith.constant 0 : i32
      %dma_start3A_230 = tpu.memref_slice %arg2[%dma_start3A_229, %mul3A_219] : memref<2x320000xi32, #tpu.memory_space<hbm>> -> memref<2x128xi32, #tpu.memory_space<hbm>>
      tpu.enqueue_dma source(%dma_start3A_230 : memref<2x128xi32, #tpu.memory_space<hbm>>) target(%dma_start3A_228 : memref<2x128xi32, #tpu.memory_space<vmem>>) target_semaphore(%arg8 : memref<!tpu.dma_semaphore, #tpu.memory_space<semaphore_mem>>)
      %ge3A = arith.constant 8 : i32
      %ge3A_231 = arith.cmpi sge, %while3A_216, %ge3A : i32
      %convert_element_type3A_232 = arith.extui %ge3A_231 : i1 to i32
      %cond3A_233 = arith.constant 0 : i32
      %cond3A_234 = arith.cmpi ne, %convert_element_type3A_232, %cond3A_233 : i32
      scf.if %cond3A_234 {
        %dma_wait3A_235 = arith.constant 0 : i32
        %dma_wait3A_236 = arith.constant 0 : i32
        %dma_wait3A_237 = arith.constant 0 : i32
        %dma_wait3A_238 = tpu.memref_slice %arg7[%dma_wait3A_235, %dma_wait3A_236, %dma_wait3A_237] : memref<79x2x128xi32, #tpu.memory_space<vmem>> -> memref<1x2x128xi32, #tpu.memory_space<vmem>>
        %dma_wait3A_239 = tpu.memref_squeeze %dma_wait3A_238 : memref<1x2x128xi32, #tpu.memory_space<vmem>> -> memref<2x128xi32, #tpu.memory_space<vmem>>
        %dma_wait3A_240 = arith.constant 0 : i32
        %dma_wait3A_241 = arith.constant 0 : i32
        %dma_wait3A_242 = tpu.memref_slice %arg2[%dma_wait3A_240, %dma_wait3A_241] : memref<2x320000xi32, #tpu.memory_space<hbm>> -> memref<2x128xi32, #tpu.memory_space<hbm>>
        %dma_wait3A_243 = arith.constant 0 : i32
        %dma_wait3A_244 = arith.constant 0 : i32
        %dma_wait3A_245 = tpu.memref_slice %arg7[%dma_wait3A_235, %dma_wait3A_243, %dma_wait3A_244] : memref<79x2x128xi32, #tpu.memory_space<vmem>> -> memref<1x2x128xi32, #tpu.memory_space<vmem>>
        %dma_wait3A_246 = tpu.memref_squeeze %dma_wait3A_245 : memref<1x2x128xi32, #tpu.memory_space<vmem>> -> memref<2x128xi32, #tpu.memory_space<vmem>>
        %dma_wait3A_247 = arith.constant 0 : i32
        %dma_wait3A_248 = arith.constant 0 : i32
        %dma_wait3A_249 = tpu.memref_slice %arg2[%dma_wait3A_247, %dma_wait3A_248] : memref<2x320000xi32, #tpu.memory_space<hbm>> -> memref<2x128xi32, #tpu.memory_space<hbm>>
        tpu.wait_dma2 semaphore(%arg8 : memref<!tpu.dma_semaphore, #tpu.memory_space<semaphore_mem>>) src(%dma_wait3A_249 : memref<2x128xi32, #tpu.memory_space<hbm>>) dst(%dma_wait3A_246 : memref<2x128xi32, #tpu.memory_space<vmem>>)
      } else {
      }
    }
    %while3A_24 = arith.constant 1 : i32
    scf.for %while3A_216 = %while3A_22 to %while3A_18 step %while3A_24  : i32 {
      %add3A_217 = arith.addi %add3A_8, %while3A_216 : i32
      %mul3A_218 = arith.constant 128 : i32
      %mul3A_219 = arith.muli %add3A_217, %mul3A_218 : i32
      %dma_start3A = arith.constant 0 : i32
      %dma_start3A_220 = arith.constant 0 : i32
      %dma_start3A_221 = tpu.memref_slice %arg7[%while3A_216, %dma_start3A, %dma_start3A_220] : memref<79x2x128xi32, #tpu.memory_space<vmem>> -> memref<1x2x128xi32, #tpu.memory_space<vmem>>
      %dma_start3A_222 = tpu.memref_squeeze %dma_start3A_221 : memref<1x2x128xi32, #tpu.memory_space<vmem>> -> memref<2x128xi32, #tpu.memory_space<vmem>>
      %dma_start3A_223 = arith.constant 0 : i32
      %dma_start3A_224 = tpu.memref_slice %arg2[%dma_start3A_223, %mul3A_219] : memref<2x320000xi32, #tpu.memory_space<hbm>> -> memref<2x128xi32, #tpu.memory_space<hbm>>
      %dma_start3A_225 = arith.constant 0 : i32
      %dma_start3A_226 = arith.constant 0 : i32
      %dma_start3A_227 = tpu.memref_slice %arg7[%while3A_216, %dma_start3A_225, %dma_start3A_226] : memref<79x2x128xi32, #tpu.memory_space<vmem>> -> memref<1x2x128xi32, #tpu.memory_space<vmem>>
      %dma_start3A_228 = tpu.memref_squeeze %dma_start3A_227 : memref<1x2x128xi32, #tpu.memory_space<vmem>> -> memref<2x128xi32, #tpu.memory_space<vmem>>
      %dma_start3A_229 = arith.constant 0 : i32
      %dma_start3A_230 = tpu.memref_slice %arg2[%dma_start3A_229, %mul3A_219] : memref<2x320000xi32, #tpu.memory_space<hbm>> -> memref<2x128xi32, #tpu.memory_space<hbm>>
      tpu.enqueue_dma source(%dma_start3A_230 : memref<2x128xi32, #tpu.memory_space<hbm>>) target(%dma_start3A_228 : memref<2x128xi32, #tpu.memory_space<vmem>>) target_semaphore(%arg8 : memref<!tpu.dma_semaphore, #tpu.memory_space<semaphore_mem>>)
      %ge3A = arith.constant 8 : i32
      %ge3A_231 = arith.cmpi sge, %while3A_216, %ge3A : i32
      %convert_element_type3A_232 = arith.extui %ge3A_231 : i1 to i32
      %cond3A_233 = arith.constant 0 : i32
      %cond3A_234 = arith.cmpi ne, %convert_element_type3A_232, %cond3A_233 : i32
      scf.if %cond3A_234 {
        %dma_wait3A_235 = arith.constant 0 : i32
        %dma_wait3A_236 = arith.constant 0 : i32
        %dma_wait3A_237 = arith.constant 0 : i32
        %dma_wait3A_238 = tpu.memref_slice %arg7[%dma_wait3A_235, %dma_wait3A_236, %dma_wait3A_237] : memref<79x2x128xi32, #tpu.memory_space<vmem>> -> memref<1x2x128xi32, #tpu.memory_space<vmem>>
        %dma_wait3A_239 = tpu.memref_squeeze %dma_wait3A_238 : memref<1x2x128xi32, #tpu.memory_space<vmem>> -> memref<2x128xi32, #tpu.memory_space<vmem>>
        %dma_wait3A_240 = arith.constant 0 : i32
        %dma_wait3A_241 = arith.constant 0 : i32
        %dma_wait3A_242 = tpu.memref_slice %arg2[%dma_wait3A_240, %dma_wait3A_241] : memref<2x320000xi32, #tpu.memory_space<hbm>> -> memref<2x128xi32, #tpu.memory_space<hbm>>
        %dma_wait3A_243 = arith.constant 0 : i32
        %dma_wait3A_244 = arith.constant 0 : i32
        %dma_wait3A_245 = tpu.memref_slice %arg7[%dma_wait3A_235, %dma_wait3A_243, %dma_wait3A_244] : memref<79x2x128xi32, #tpu.memory_space<vmem>> -> memref<1x2x128xi32, #tpu.memory_space<vmem>>
        %dma_wait3A_246 = tpu.memref_squeeze %dma_wait3A_245 : memref<1x2x128xi32, #tpu.memory_space<vmem>> -> memref<2x128xi32, #tpu.memory_space<vmem>>
        %dma_wait3A_247 = arith.constant 0 : i32
        %dma_wait3A_248 = arith.constant 0 : i32
        %dma_wait3A_249 = tpu.memref_slice %arg2[%dma_wait3A_247, %dma_wait3A_248] : memref<2x320000xi32, #tpu.memory_space<hbm>> -> memref<2x128xi32, #tpu.memory_space<hbm>>
        tpu.wait_dma2 semaphore(%arg8 : memref<!tpu.dma_semaphore, #tpu.memory_space<semaphore_mem>>) src(%dma_wait3A_249 : memref<2x128xi32, #tpu.memory_space<hbm>>) dst(%dma_wait3A_246 : memref<2x128xi32, #tpu.memory_space<vmem>>)
      } else {
      }
    }
    %dma_wait3A = arith.constant 0 : i32
    %dma_wait3A_25 = arith.constant 0 : i32
    %dma_wait3A_26 = arith.constant 0 : i32
    %dma_wait3A_27 = tpu.memref_slice %arg7[%dma_wait3A, %dma_wait3A_25, %dma_wait3A_26] : memref<79x2x128xi32, #tpu.memory_space<vmem>> -> memref<1x2x128xi32, #tpu.memory_space<vmem>>
    %dma_wait3A_28 = tpu.memref_squeeze %dma_wait3A_27 : memref<1x2x128xi32, #tpu.memory_space<vmem>> -> memref<2x128xi32, #tpu.memory_space<vmem>>
    %dma_wait3A_29 = arith.constant 0 : i32
    %dma_wait3A_30 = arith.constant 0 : i32
    %dma_wait3A_31 = tpu.memref_slice %arg2[%dma_wait3A_29, %dma_wait3A_30] : memref<2x320000xi32, #tpu.memory_space<hbm>> -> memref<2x128xi32, #tpu.memory_space<hbm>>
    %dma_wait3A_32 = arith.constant 0 : i32
    %dma_wait3A_33 = arith.constant 0 : i32
    %dma_wait3A_34 = tpu.memref_slice %arg7[%dma_wait3A, %dma_wait3A_32, %dma_wait3A_33] : memref<79x2x128xi32, #tpu.memory_space<vmem>> -> memref<1x2x128xi32, #tpu.memory_space<vmem>>
    %dma_wait3A_35 = tpu.memref_squeeze %dma_wait3A_34 : memref<1x2x128xi32, #tpu.memory_space<vmem>> -> memref<2x128xi32, #tpu.memory_space<vmem>>
    %dma_wait3A_36 = arith.constant 0 : i32
    %dma_wait3A_37 = arith.constant 0 : i32
    %dma_wait3A_38 = tpu.memref_slice %arg2[%dma_wait3A_36, %dma_wait3A_37] : memref<2x320000xi32, #tpu.memory_space<hbm>> -> memref<2x128xi32, #tpu.memory_space<hbm>>
    tpu.wait_dma2 semaphore(%arg8 : memref<!tpu.dma_semaphore, #tpu.memory_space<semaphore_mem>>) src(%dma_wait3A_38 : memref<2x128xi32, #tpu.memory_space<hbm>>) dst(%dma_wait3A_35 : memref<2x128xi32, #tpu.memory_space<vmem>>)
    %dma_wait3A_39 = arith.constant 0 : i32
    %dma_wait3A_40 = arith.constant 0 : i32
    %dma_wait3A_41 = arith.constant 0 : i32
    %dma_wait3A_42 = tpu.memref_slice %arg7[%dma_wait3A_39, %dma_wait3A_40, %dma_wait3A_41] : memref<79x2x128xi32, #tpu.memory_space<vmem>> -> memref<1x2x128xi32, #tpu.memory_space<vmem>>
    %dma_wait3A_43 = tpu.memref_squeeze %dma_wait3A_42 : memref<1x2x128xi32, #tpu.memory_space<vmem>> -> memref<2x128xi32, #tpu.memory_space<vmem>>
    %dma_wait3A_44 = arith.constant 0 : i32
    %dma_wait3A_45 = arith.constant 0 : i32
    %dma_wait3A_46 = tpu.memref_slice %arg2[%dma_wait3A_44, %dma_wait3A_45] : memref<2x320000xi32, #tpu.memory_space<hbm>> -> memref<2x128xi32, #tpu.memory_space<hbm>>
    %dma_wait3A_47 = arith.constant 0 : i32
    %dma_wait3A_48 = arith.constant 0 : i32
    %dma_wait3A_49 = tpu.memref_slice %arg7[%dma_wait3A_39, %dma_wait3A_47, %dma_wait3A_48] : memref<79x2x128xi32, #tpu.memory_space<vmem>> -> memref<1x2x128xi32, #tpu.memory_space<vmem>>
    %dma_wait3A_50 = tpu.memref_squeeze %dma_wait3A_49 : memref<1x2x128xi32, #tpu.memory_space<vmem>> -> memref<2x128xi32, #tpu.memory_space<vmem>>
    %dma_wait3A_51 = arith.constant 0 : i32
    %dma_wait3A_52 = arith.constant 0 : i32
    %dma_wait3A_53 = tpu.memref_slice %arg2[%dma_wait3A_51, %dma_wait3A_52] : memref<2x320000xi32, #tpu.memory_space<hbm>> -> memref<2x128xi32, #tpu.memory_space<hbm>>
    tpu.wait_dma2 semaphore(%arg8 : memref<!tpu.dma_semaphore, #tpu.memory_space<semaphore_mem>>) src(%dma_wait3A_53 : memref<2x128xi32, #tpu.memory_space<hbm>>) dst(%dma_wait3A_50 : memref<2x128xi32, #tpu.memory_space<vmem>>)
    %dma_wait3A_54 = arith.constant 0 : i32
    %dma_wait3A_55 = arith.constant 0 : i32
    %dma_wait3A_56 = arith.constant 0 : i32
    %dma_wait3A_57 = tpu.memref_slice %arg7[%dma_wait3A_54, %dma_wait3A_55, %dma_wait3A_56] : memref<79x2x128xi32, #tpu.memory_space<vmem>> -> memref<1x2x128xi32, #tpu.memory_space<vmem>>
    %dma_wait3A_58 = tpu.memref_squeeze %dma_wait3A_57 : memref<1x2x128xi32, #tpu.memory_space<vmem>> -> memref<2x128xi32, #tpu.memory_space<vmem>>
    %dma_wait3A_59 = arith.constant 0 : i32
    %dma_wait3A_60 = arith.constant 0 : i32
    %dma_wait3A_61 = tpu.memref_slice %arg2[%dma_wait3A_59, %dma_wait3A_60] : memref<2x320000xi32, #tpu.memory_space<hbm>> -> memref<2x128xi32, #tpu.memory_space<hbm>>
    %dma_wait3A_62 = arith.constant 0 : i32
    %dma_wait3A_63 = arith.constant 0 : i32
    %dma_wait3A_64 = tpu.memref_slice %arg7[%dma_wait3A_54, %dma_wait3A_62, %dma_wait3A_63] : memref<79x2x128xi32, #tpu.memory_space<vmem>> -> memref<1x2x128xi32, #tpu.memory_space<vmem>>
    %dma_wait3A_65 = tpu.memref_squeeze %dma_wait3A_64 : memref<1x2x128xi32, #tpu.memory_space<vmem>> -> memref<2x128xi32, #tpu.memory_space<vmem>>
    %dma_wait3A_66 = arith.constant 0 : i32
    %dma_wait3A_67 = arith.constant 0 : i32
    %dma_wait3A_68 = tpu.memref_slice %arg2[%dma_wait3A_66, %dma_wait3A_67] : memref<2x320000xi32, #tpu.memory_space<hbm>> -> memref<2x128xi32, #tpu.memory_space<hbm>>
    tpu.wait_dma2 semaphore(%arg8 : memref<!tpu.dma_semaphore, #tpu.memory_space<semaphore_mem>>) src(%dma_wait3A_68 : memref<2x128xi32, #tpu.memory_space<hbm>>) dst(%dma_wait3A_65 : memref<2x128xi32, #tpu.memory_space<vmem>>)
    %dma_wait3A_69 = arith.constant 0 : i32
    %dma_wait3A_70 = arith.constant 0 : i32
    %dma_wait3A_71 = arith.constant 0 : i32
    %dma_wait3A_72 = tpu.memref_slice %arg7[%dma_wait3A_69, %dma_wait3A_70, %dma_wait3A_71] : memref<79x2x128xi32, #tpu.memory_space<vmem>> -> memref<1x2x128xi32, #tpu.memory_space<vmem>>
    %dma_wait3A_73 = tpu.memref_squeeze %dma_wait3A_72 : memref<1x2x128xi32, #tpu.memory_space<vmem>> -> memref<2x128xi32, #tpu.memory_space<vmem>>
    %dma_wait3A_74 = arith.constant 0 : i32
    %dma_wait3A_75 = arith.constant 0 : i32
    %dma_wait3A_76 = tpu.memref_slice %arg2[%dma_wait3A_74, %dma_wait3A_75] : memref<2x320000xi32, #tpu.memory_space<hbm>> -> memref<2x128xi32, #tpu.memory_space<hbm>>
    %dma_wait3A_77 = arith.constant 0 : i32
    %dma_wait3A_78 = arith.constant 0 : i32
    %dma_wait3A_79 = tpu.memref_slice %arg7[%dma_wait3A_69, %dma_wait3A_77, %dma_wait3A_78] : memref<79x2x128xi32, #tpu.memory_space<vmem>> -> memref<1x2x128xi32, #tpu.memory_space<vmem>>
    %dma_wait3A_80 = tpu.memref_squeeze %dma_wait3A_79 : memref<1x2x128xi32, #tpu.memory_space<vmem>> -> memref<2x128xi32, #tpu.memory_space<vmem>>
    %dma_wait3A_81 = arith.constant 0 : i32
    %dma_wait3A_82 = arith.constant 0 : i32
    %dma_wait3A_83 = tpu.memref_slice %arg2[%dma_wait3A_81, %dma_wait3A_82] : memref<2x320000xi32, #tpu.memory_space<hbm>> -> memref<2x128xi32, #tpu.memory_space<hbm>>
    tpu.wait_dma2 semaphore(%arg8 : memref<!tpu.dma_semaphore, #tpu.memory_space<semaphore_mem>>) src(%dma_wait3A_83 : memref<2x128xi32, #tpu.memory_space<hbm>>) dst(%dma_wait3A_80 : memref<2x128xi32, #tpu.memory_space<vmem>>)
    %dma_wait3A_84 = arith.constant 0 : i32
    %dma_wait3A_85 = arith.constant 0 : i32
    %dma_wait3A_86 = arith.constant 0 : i32
    %dma_wait3A_87 = tpu.memref_slice %arg7[%dma_wait3A_84, %dma_wait3A_85, %dma_wait3A_86] : memref<79x2x128xi32, #tpu.memory_space<vmem>> -> memref<1x2x128xi32, #tpu.memory_space<vmem>>
    %dma_wait3A_88 = tpu.memref_squeeze %dma_wait3A_87 : memref<1x2x128xi32, #tpu.memory_space<vmem>> -> memref<2x128xi32, #tpu.memory_space<vmem>>
    %dma_wait3A_89 = arith.constant 0 : i32
    %dma_wait3A_90 = arith.constant 0 : i32
    %dma_wait3A_91 = tpu.memref_slice %arg2[%dma_wait3A_89, %dma_wait3A_90] : memref<2x320000xi32, #tpu.memory_space<hbm>> -> memref<2x128xi32, #tpu.memory_space<hbm>>
    %dma_wait3A_92 = arith.constant 0 : i32
    %dma_wait3A_93 = arith.constant 0 : i32
    %dma_wait3A_94 = tpu.memref_slice %arg7[%dma_wait3A_84, %dma_wait3A_92, %dma_wait3A_93] : memref<79x2x128xi32, #tpu.memory_space<vmem>> -> memref<1x2x128xi32, #tpu.memory_space<vmem>>
    %dma_wait3A_95 = tpu.memref_squeeze %dma_wait3A_94 : memref<1x2x128xi32, #tpu.memory_space<vmem>> -> memref<2x128xi32, #tpu.memory_space<vmem>>
    %dma_wait3A_96 = arith.constant 0 : i32
    %dma_wait3A_97 = arith.constant 0 : i32
    %dma_wait3A_98 = tpu.memref_slice %arg2[%dma_wait3A_96, %dma_wait3A_97] : memref<2x320000xi32, #tpu.memory_space<hbm>> -> memref<2x128xi32, #tpu.memory_space<hbm>>
    tpu.wait_dma2 semaphore(%arg8 : memref<!tpu.dma_semaphore, #tpu.memory_space<semaphore_mem>>) src(%dma_wait3A_98 : memref<2x128xi32, #tpu.memory_space<hbm>>) dst(%dma_wait3A_95 : memref<2x128xi32, #tpu.memory_space<vmem>>)
    %dma_wait3A_99 = arith.constant 0 : i32
    %dma_wait3A_100 = arith.constant 0 : i32
    %dma_wait3A_101 = arith.constant 0 : i32
    %dma_wait3A_102 = tpu.memref_slice %arg7[%dma_wait3A_99, %dma_wait3A_100, %dma_wait3A_101] : memref<79x2x128xi32, #tpu.memory_space<vmem>> -> memref<1x2x128xi32, #tpu.memory_space<vmem>>
    %dma_wait3A_103 = tpu.memref_squeeze %dma_wait3A_102 : memref<1x2x128xi32, #tpu.memory_space<vmem>> -> memref<2x128xi32, #tpu.memory_space<vmem>>
    %dma_wait3A_104 = arith.constant 0 : i32
    %dma_wait3A_105 = arith.constant 0 : i32
    %dma_wait3A_106 = tpu.memref_slice %arg2[%dma_wait3A_104, %dma_wait3A_105] : memref<2x320000xi32, #tpu.memory_space<hbm>> -> memref<2x128xi32, #tpu.memory_space<hbm>>
    %dma_wait3A_107 = arith.constant 0 : i32
    %dma_wait3A_108 = arith.constant 0 : i32
    %dma_wait3A_109 = tpu.memref_slice %arg7[%dma_wait3A_99, %dma_wait3A_107, %dma_wait3A_108] : memref<79x2x128xi32, #tpu.memory_space<vmem>> -> memref<1x2x128xi32, #tpu.memory_space<vmem>>
    %dma_wait3A_110 = tpu.memref_squeeze %dma_wait3A_109 : memref<1x2x128xi32, #tpu.memory_space<vmem>> -> memref<2x128xi32, #tpu.memory_space<vmem>>
    %dma_wait3A_111 = arith.constant 0 : i32
    %dma_wait3A_112 = arith.constant 0 : i32
    %dma_wait3A_113 = tpu.memref_slice %arg2[%dma_wait3A_111, %dma_wait3A_112] : memref<2x320000xi32, #tpu.memory_space<hbm>> -> memref<2x128xi32, #tpu.memory_space<hbm>>
    tpu.wait_dma2 semaphore(%arg8 : memref<!tpu.dma_semaphore, #tpu.memory_space<semaphore_mem>>) src(%dma_wait3A_113 : memref<2x128xi32, #tpu.memory_space<hbm>>) dst(%dma_wait3A_110 : memref<2x128xi32, #tpu.memory_space<vmem>>)
    %dma_wait3A_114 = arith.constant 0 : i32
    %dma_wait3A_115 = arith.constant 0 : i32
    %dma_wait3A_116 = arith.constant 0 : i32
    %dma_wait3A_117 = tpu.memref_slice %arg7[%dma_wait3A_114, %dma_wait3A_115, %dma_wait3A_116] : memref<79x2x128xi32, #tpu.memory_space<vmem>> -> memref<1x2x128xi32, #tpu.memory_space<vmem>>
    %dma_wait3A_118 = tpu.memref_squeeze %dma_wait3A_117 : memref<1x2x128xi32, #tpu.memory_space<vmem>> -> memref<2x128xi32, #tpu.memory_space<vmem>>
    %dma_wait3A_119 = arith.constant 0 : i32
    %dma_wait3A_120 = arith.constant 0 : i32
    %dma_wait3A_121 = tpu.memref_slice %arg2[%dma_wait3A_119, %dma_wait3A_120] : memref<2x320000xi32, #tpu.memory_space<hbm>> -> memref<2x128xi32, #tpu.memory_space<hbm>>
    %dma_wait3A_122 = arith.constant 0 : i32
    %dma_wait3A_123 = arith.constant 0 : i32
    %dma_wait3A_124 = tpu.memref_slice %arg7[%dma_wait3A_114, %dma_wait3A_122, %dma_wait3A_123] : memref<79x2x128xi32, #tpu.memory_space<vmem>> -> memref<1x2x128xi32, #tpu.memory_space<vmem>>
    %dma_wait3A_125 = tpu.memref_squeeze %dma_wait3A_124 : memref<1x2x128xi32, #tpu.memory_space<vmem>> -> memref<2x128xi32, #tpu.memory_space<vmem>>
    %dma_wait3A_126 = arith.constant 0 : i32
    %dma_wait3A_127 = arith.constant 0 : i32
    %dma_wait3A_128 = tpu.memref_slice %arg2[%dma_wait3A_126, %dma_wait3A_127] : memref<2x320000xi32, #tpu.memory_space<hbm>> -> memref<2x128xi32, #tpu.memory_space<hbm>>
    tpu.wait_dma2 semaphore(%arg8 : memref<!tpu.dma_semaphore, #tpu.memory_space<semaphore_mem>>) src(%dma_wait3A_128 : memref<2x128xi32, #tpu.memory_space<hbm>>) dst(%dma_wait3A_125 : memref<2x128xi32, #tpu.memory_space<vmem>>)
    %dma_wait3A_129 = arith.constant 0 : i32
    %dma_wait3A_130 = arith.constant 0 : i32
    %dma_wait3A_131 = arith.constant 0 : i32
    %dma_wait3A_132 = tpu.memref_slice %arg7[%dma_wait3A_129, %dma_wait3A_130, %dma_wait3A_131] : memref<79x2x128xi32, #tpu.memory_space<vmem>> -> memref<1x2x128xi32, #tpu.memory_space<vmem>>
    %dma_wait3A_133 = tpu.memref_squeeze %dma_wait3A_132 : memref<1x2x128xi32, #tpu.memory_space<vmem>> -> memref<2x128xi32, #tpu.memory_space<vmem>>
    %dma_wait3A_134 = arith.constant 0 : i32
    %dma_wait3A_135 = arith.constant 0 : i32
    %dma_wait3A_136 = tpu.memref_slice %arg2[%dma_wait3A_134, %dma_wait3A_135] : memref<2x320000xi32, #tpu.memory_space<hbm>> -> memref<2x128xi32, #tpu.memory_space<hbm>>
    %dma_wait3A_137 = arith.constant 0 : i32
    %dma_wait3A_138 = arith.constant 0 : i32
    %dma_wait3A_139 = tpu.memref_slice %arg7[%dma_wait3A_129, %dma_wait3A_137, %dma_wait3A_138] : memref<79x2x128xi32, #tpu.memory_space<vmem>> -> memref<1x2x128xi32, #tpu.memory_space<vmem>>
    %dma_wait3A_140 = tpu.memref_squeeze %dma_wait3A_139 : memref<1x2x128xi32, #tpu.memory_space<vmem>> -> memref<2x128xi32, #tpu.memory_space<vmem>>
    %dma_wait3A_141 = arith.constant 0 : i32
    %dma_wait3A_142 = arith.constant 0 : i32
    %dma_wait3A_143 = tpu.memref_slice %arg2[%dma_wait3A_141, %dma_wait3A_142] : memref<2x320000xi32, #tpu.memory_space<hbm>> -> memref<2x128xi32, #tpu.memory_space<hbm>>
    tpu.wait_dma2 semaphore(%arg8 : memref<!tpu.dma_semaphore, #tpu.memory_space<semaphore_mem>>) src(%dma_wait3A_143 : memref<2x128xi32, #tpu.memory_space<hbm>>) dst(%dma_wait3A_140 : memref<2x128xi32, #tpu.memory_space<vmem>>)
    %barrier3A = arith.constant 0 : index
    tpu.barrier barrier_id(%barrier3A)
    %while3A_144 = arith.constant 0 : i32
    %while3A_145 = arith.constant 0 : i32
    %while3A_146 = arith.subi %add3A_4, %while3A_145 : i32
    %while3A_147 = arith.addi %while3A_145, %while3A_146 : i32
    %while3A_148 = arith.constant 1 : i32
    %while3A_149 = arith.divsi %while3A_146, %while3A_148 : i32
    %while3A_150 = arith.muli %while3A_149, %while3A_148 : i32
    %while3A_151 = arith.addi %while3A_145, %while3A_150 : i32
    %while3A_152 = arith.constant 1 : i32
    scf.for %while3A_216 = %while3A_145 to %while3A_151 step %while3A_152  : i32 {
      %dma_start3A = arith.constant 1 : i32
      %dma_start3A_217 = arith.constant 0 : i32
      %dma_start3A_218 = tpu.memref_slice %arg7[%while3A_216, %dma_start3A, %dma_start3A_217] : memref<79x2x128xi32, #tpu.memory_space<vmem>> -> memref<1x1x128xi32, #tpu.memory_space<vmem>>
      %dma_start3A_219 = tpu.memref_squeeze %dma_start3A_218 : memref<1x1x128xi32, #tpu.memory_space<vmem>> -> memref<128xi32, #tpu.memory_space<vmem>>
      %dma_start3A_220 = arith.constant 0 : i32
      %dma_start3A_221 = tpu.memref_slice %arg4[%dma_start3A_220] : memref<10000xf32, #tpu.memory_space<vmem_shared>> -> memref<10000xf32, #tpu.memory_space<vmem_shared>>
      tpu.enqueue_indirect_dma source(%arg6 : memref<128xf32, #tpu.memory_space<vmem>>) target(%dma_start3A_221 : memref<10000xf32, #tpu.memory_space<vmem_shared>>) offsets(%dma_start3A_219 : memref<128xi32, #tpu.memory_space<vmem>>) semaphore(%arg9 : memref<!tpu.dma_semaphore, #tpu.memory_space<semaphore_mem>>) {add = true}
      %ge3A = arith.constant 8 : i32
      %ge3A_222 = arith.cmpi sge, %while3A_216, %ge3A : i32
      %convert_element_type3A_223 = arith.extui %ge3A_222 : i1 to i32
      %cond3A_224 = arith.constant 0 : i32
      %cond3A_225 = arith.cmpi ne, %convert_element_type3A_223, %cond3A_224 : i32
      scf.if %cond3A_225 {
        %dma_wait3A_226 = arith.constant 0 : i32
        %dma_wait3A_227 = arith.constant 1 : i32
        %dma_wait3A_228 = arith.constant 0 : i32
        %dma_wait3A_229 = tpu.memref_slice %arg7[%dma_wait3A_226, %dma_wait3A_227, %dma_wait3A_228] : memref<79x2x128xi32, #tpu.memory_space<vmem>> -> memref<1x1x128xi32, #tpu.memory_space<vmem>>
        %dma_wait3A_230 = tpu.memref_squeeze %dma_wait3A_229 : memref<1x1x128xi32, #tpu.memory_space<vmem>> -> memref<128xi32, #tpu.memory_space<vmem>>
        %dma_wait3A_231 = arith.constant 0 : i32
        %dma_wait3A_232 = tpu.memref_slice %arg4[%dma_wait3A_231] : memref<10000xf32, #tpu.memory_space<vmem_shared>> -> memref<10000xf32, #tpu.memory_space<vmem_shared>>
        tpu.wait_indirect_dma semaphore(%arg9 : memref<!tpu.dma_semaphore, #tpu.memory_space<semaphore_mem>>) src(%arg6 : memref<128xf32, #tpu.memory_space<vmem>>) dst(%dma_wait3A_232 : memref<10000xf32, #tpu.memory_space<vmem_shared>>)
      } else {
      }
    }
    %while3A_153 = arith.constant 1 : i32
    scf.for %while3A_216 = %while3A_151 to %while3A_147 step %while3A_153  : i32 {
      %dma_start3A = arith.constant 1 : i32
      %dma_start3A_217 = arith.constant 0 : i32
      %dma_start3A_218 = tpu.memref_slice %arg7[%while3A_216, %dma_start3A, %dma_start3A_217] : memref<79x2x128xi32, #tpu.memory_space<vmem>> -> memref<1x1x128xi32, #tpu.memory_space<vmem>>
      %dma_start3A_219 = tpu.memref_squeeze %dma_start3A_218 : memref<1x1x128xi32, #tpu.memory_space<vmem>> -> memref<128xi32, #tpu.memory_space<vmem>>
      %dma_start3A_220 = arith.constant 0 : i32
      %dma_start3A_221 = tpu.memref_slice %arg4[%dma_start3A_220] : memref<10000xf32, #tpu.memory_space<vmem_shared>> -> memref<10000xf32, #tpu.memory_space<vmem_shared>>
      tpu.enqueue_indirect_dma source(%arg6 : memref<128xf32, #tpu.memory_space<vmem>>) target(%dma_start3A_221 : memref<10000xf32, #tpu.memory_space<vmem_shared>>) offsets(%dma_start3A_219 : memref<128xi32, #tpu.memory_space<vmem>>) semaphore(%arg9 : memref<!tpu.dma_semaphore, #tpu.memory_space<semaphore_mem>>) {add = true}
      %ge3A = arith.constant 8 : i32
      %ge3A_222 = arith.cmpi sge, %while3A_216, %ge3A : i32
      %convert_element_type3A_223 = arith.extui %ge3A_222 : i1 to i32
      %cond3A_224 = arith.constant 0 : i32
      %cond3A_225 = arith.cmpi ne, %convert_element_type3A_223, %cond3A_224 : i32
      scf.if %cond3A_225 {
        %dma_wait3A_226 = arith.constant 0 : i32
        %dma_wait3A_227 = arith.constant 1 : i32
        %dma_wait3A_228 = arith.constant 0 : i32
        %dma_wait3A_229 = tpu.memref_slice %arg7[%dma_wait3A_226, %dma_wait3A_227, %dma_wait3A_228] : memref<79x2x128xi32, #tpu.memory_space<vmem>> -> memref<1x1x128xi32, #tpu.memory_space<vmem>>
        %dma_wait3A_230 = tpu.memref_squeeze %dma_wait3A_229 : memref<1x1x128xi32, #tpu.memory_space<vmem>> -> memref<128xi32, #tpu.memory_space<vmem>>
        %dma_wait3A_231 = arith.constant 0 : i32
        %dma_wait3A_232 = tpu.memref_slice %arg4[%dma_wait3A_231] : memref<10000xf32, #tpu.memory_space<vmem_shared>> -> memref<10000xf32, #tpu.memory_space<vmem_shared>>
        tpu.wait_indirect_dma semaphore(%arg9 : memref<!tpu.dma_semaphore, #tpu.memory_space<semaphore_mem>>) src(%arg6 : memref<128xf32, #tpu.memory_space<vmem>>) dst(%dma_wait3A_232 : memref<10000xf32, #tpu.memory_space<vmem_shared>>)
      } else {
      }
    }
    %dma_wait3A_154 = arith.constant 0 : i32
    %dma_wait3A_155 = arith.constant 1 : i32
    %dma_wait3A_156 = arith.constant 0 : i32
    %dma_wait3A_157 = tpu.memref_slice %arg7[%dma_wait3A_154, %dma_wait3A_155, %dma_wait3A_156] : memref<79x2x128xi32, #tpu.memory_space<vmem>> -> memref<1x1x128xi32, #tpu.memory_space<vmem>>
    %dma_wait3A_158 = tpu.memref_squeeze %dma_wait3A_157 : memref<1x1x128xi32, #tpu.memory_space<vmem>> -> memref<128xi32, #tpu.memory_space<vmem>>
    %dma_wait3A_159 = arith.constant 0 : i32
    %dma_wait3A_160 = tpu.memref_slice %arg4[%dma_wait3A_159] : memref<10000xf32, #tpu.memory_space<vmem_shared>> -> memref<10000xf32, #tpu.memory_space<vmem_shared>>
    tpu.wait_indirect_dma semaphore(%arg9 : memref<!tpu.dma_semaphore, #tpu.memory_space<semaphore_mem>>) src(%arg6 : memref<128xf32, #tpu.memory_space<vmem>>) dst(%dma_wait3A_160 : memref<10000xf32, #tpu.memory_space<vmem_shared>>)
    %dma_wait3A_161 = arith.constant 0 : i32
    %dma_wait3A_162 = arith.constant 1 : i32
    %dma_wait3A_163 = arith.constant 0 : i32
    %dma_wait3A_164 = tpu.memref_slice %arg7[%dma_wait3A_161, %dma_wait3A_162, %dma_wait3A_163] : memref<79x2x128xi32, #tpu.memory_space<vmem>> -> memref<1x1x128xi32, #tpu.memory_space<vmem>>
    %dma_wait3A_165 = tpu.memref_squeeze %dma_wait3A_164 : memref<1x1x128xi32, #tpu.memory_space<vmem>> -> memref<128xi32, #tpu.memory_space<vmem>>
    %dma_wait3A_166 = arith.constant 0 : i32
    %dma_wait3A_167 = tpu.memref_slice %arg4[%dma_wait3A_166] : memref<10000xf32, #tpu.memory_space<vmem_shared>> -> memref<10000xf32, #tpu.memory_space<vmem_shared>>
    tpu.wait_indirect_dma semaphore(%arg9 : memref<!tpu.dma_semaphore, #tpu.memory_space<semaphore_mem>>) src(%arg6 : memref<128xf32, #tpu.memory_space<vmem>>) dst(%dma_wait3A_167 : memref<10000xf32, #tpu.memory_space<vmem_shared>>)
    %dma_wait3A_168 = arith.constant 0 : i32
    %dma_wait3A_169 = arith.constant 1 : i32
    %dma_wait3A_170 = arith.constant 0 : i32
    %dma_wait3A_171 = tpu.memref_slice %arg7[%dma_wait3A_168, %dma_wait3A_169, %dma_wait3A_170] : memref<79x2x128xi32, #tpu.memory_space<vmem>> -> memref<1x1x128xi32, #tpu.memory_space<vmem>>
    %dma_wait3A_172 = tpu.memref_squeeze %dma_wait3A_171 : memref<1x1x128xi32, #tpu.memory_space<vmem>> -> memref<128xi32, #tpu.memory_space<vmem>>
    %dma_wait3A_173 = arith.constant 0 : i32
    %dma_wait3A_174 = tpu.memref_slice %arg4[%dma_wait3A_173] : memref<10000xf32, #tpu.memory_space<vmem_shared>> -> memref<10000xf32, #tpu.memory_space<vmem_shared>>
    tpu.wait_indirect_dma semaphore(%arg9 : memref<!tpu.dma_semaphore, #tpu.memory_space<semaphore_mem>>) src(%arg6 : memref<128xf32, #tpu.memory_space<vmem>>) dst(%dma_wait3A_174 : memref<10000xf32, #tpu.memory_space<vmem_shared>>)
    %dma_wait3A_175 = arith.constant 0 : i32
    %dma_wait3A_176 = arith.constant 1 : i32
    %dma_wait3A_177 = arith.constant 0 : i32
    %dma_wait3A_178 = tpu.memref_slice %arg7[%dma_wait3A_175, %dma_wait3A_176, %dma_wait3A_177] : memref<79x2x128xi32, #tpu.memory_space<vmem>> -> memref<1x1x128xi32, #tpu.memory_space<vmem>>
    %dma_wait3A_179 = tpu.memref_squeeze %dma_wait3A_178 : memref<1x1x128xi32, #tpu.memory_space<vmem>> -> memref<128xi32, #tpu.memory_space<vmem>>
    %dma_wait3A_180 = arith.constant 0 : i32
    %dma_wait3A_181 = tpu.memref_slice %arg4[%dma_wait3A_180] : memref<10000xf32, #tpu.memory_space<vmem_shared>> -> memref<10000xf32, #tpu.memory_space<vmem_shared>>
    tpu.wait_indirect_dma semaphore(%arg9 : memref<!tpu.dma_semaphore, #tpu.memory_space<semaphore_mem>>) src(%arg6 : memref<128xf32, #tpu.memory_space<vmem>>) dst(%dma_wait3A_181 : memref<10000xf32, #tpu.memory_space<vmem_shared>>)
    %dma_wait3A_182 = arith.constant 0 : i32
    %dma_wait3A_183 = arith.constant 1 : i32
    %dma_wait3A_184 = arith.constant 0 : i32
    %dma_wait3A_185 = tpu.memref_slice %arg7[%dma_wait3A_182, %dma_wait3A_183, %dma_wait3A_184] : memref<79x2x128xi32, #tpu.memory_space<vmem>> -> memref<1x1x128xi32, #tpu.memory_space<vmem>>
    %dma_wait3A_186 = tpu.memref_squeeze %dma_wait3A_185 : memref<1x1x128xi32, #tpu.memory_space<vmem>> -> memref<128xi32, #tpu.memory_space<vmem>>
    %dma_wait3A_187 = arith.constant 0 : i32
    %dma_wait3A_188 = tpu.memref_slice %arg4[%dma_wait3A_187] : memref<10000xf32, #tpu.memory_space<vmem_shared>> -> memref<10000xf32, #tpu.memory_space<vmem_shared>>
    tpu.wait_indirect_dma semaphore(%arg9 : memref<!tpu.dma_semaphore, #tpu.memory_space<semaphore_mem>>) src(%arg6 : memref<128xf32, #tpu.memory_space<vmem>>) dst(%dma_wait3A_188 : memref<10000xf32, #tpu.memory_space<vmem_shared>>)
    %dma_wait3A_189 = arith.constant 0 : i32
    %dma_wait3A_190 = arith.constant 1 : i32
    %dma_wait3A_191 = arith.constant 0 : i32
    %dma_wait3A_192 = tpu.memref_slice %arg7[%dma_wait3A_189, %dma_wait3A_190, %dma_wait3A_191] : memref<79x2x128xi32, #tpu.memory_space<vmem>> -> memref<1x1x128xi32, #tpu.memory_space<vmem>>
    %dma_wait3A_193 = tpu.memref_squeeze %dma_wait3A_192 : memref<1x1x128xi32, #tpu.memory_space<vmem>> -> memref<128xi32, #tpu.memory_space<vmem>>
    %dma_wait3A_194 = arith.constant 0 : i32
    %dma_wait3A_195 = tpu.memref_slice %arg4[%dma_wait3A_194] : memref<10000xf32, #tpu.memory_space<vmem_shared>> -> memref<10000xf32, #tpu.memory_space<vmem_shared>>
    tpu.wait_indirect_dma semaphore(%arg9 : memref<!tpu.dma_semaphore, #tpu.memory_space<semaphore_mem>>) src(%arg6 : memref<128xf32, #tpu.memory_space<vmem>>) dst(%dma_wait3A_195 : memref<10000xf32, #tpu.memory_space<vmem_shared>>)
    %dma_wait3A_196 = arith.constant 0 : i32
    %dma_wait3A_197 = arith.constant 1 : i32
    %dma_wait3A_198 = arith.constant 0 : i32
    %dma_wait3A_199 = tpu.memref_slice %arg7[%dma_wait3A_196, %dma_wait3A_197, %dma_wait3A_198] : memref<79x2x128xi32, #tpu.memory_space<vmem>> -> memref<1x1x128xi32, #tpu.memory_space<vmem>>
    %dma_wait3A_200 = tpu.memref_squeeze %dma_wait3A_199 : memref<1x1x128xi32, #tpu.memory_space<vmem>> -> memref<128xi32, #tpu.memory_space<vmem>>
    %dma_wait3A_201 = arith.constant 0 : i32
    %dma_wait3A_202 = tpu.memref_slice %arg4[%dma_wait3A_201] : memref<10000xf32, #tpu.memory_space<vmem_shared>> -> memref<10000xf32, #tpu.memory_space<vmem_shared>>
    tpu.wait_indirect_dma semaphore(%arg9 : memref<!tpu.dma_semaphore, #tpu.memory_space<semaphore_mem>>) src(%arg6 : memref<128xf32, #tpu.memory_space<vmem>>) dst(%dma_wait3A_202 : memref<10000xf32, #tpu.memory_space<vmem_shared>>)
    %dma_wait3A_203 = arith.constant 0 : i32
    %dma_wait3A_204 = arith.constant 1 : i32
    %dma_wait3A_205 = arith.constant 0 : i32
    %dma_wait3A_206 = tpu.memref_slice %arg7[%dma_wait3A_203, %dma_wait3A_204, %dma_wait3A_205] : memref<79x2x128xi32, #tpu.memory_space<vmem>> -> memref<1x1x128xi32, #tpu.memory_space<vmem>>
    %dma_wait3A_207 = tpu.memref_squeeze %dma_wait3A_206 : memref<1x1x128xi32, #tpu.memory_space<vmem>> -> memref<128xi32, #tpu.memory_space<vmem>>
    %dma_wait3A_208 = arith.constant 0 : i32
    %dma_wait3A_209 = tpu.memref_slice %arg4[%dma_wait3A_208] : memref<10000xf32, #tpu.memory_space<vmem_shared>> -> memref<10000xf32, #tpu.memory_space<vmem_shared>>
    tpu.wait_indirect_dma semaphore(%arg9 : memref<!tpu.dma_semaphore, #tpu.memory_space<semaphore_mem>>) src(%arg6 : memref<128xf32, #tpu.memory_space<vmem>>) dst(%dma_wait3A_209 : memref<10000xf32, #tpu.memory_space<vmem_shared>>)
    %barrier3A_210 = arith.constant 0 : index
    tpu.barrier barrier_id(%barrier3A_210)
    %eq3A_211 = arith.constant 0 : i32
    %eq3A_212 = arith.cmpi eq, %arg1, %eq3A_211 : i32
    %convert_element_type3A_213 = arith.extui %eq3A_212 : i1 to i32
    %cond3A_214 = arith.constant 0 : i32
    %cond3A_215 = arith.cmpi ne, %convert_element_type3A_213, %cond3A_214 : i32
    scf.if %cond3A_215 {
      %run_scoped3A = arith.constant 0 : i32
      "tpu.region"() ({
        %run_scoped3A_216 = tpu.sem_alloc : memref<!tpu.dma_semaphore, #tpu.memory_space<semaphore_mem>>
        %dma_start3A = arith.constant 0 : i32
        %dma_start3A_217 = tpu.memref_slice %arg3[%arg0, %run_scoped3A, %dma_start3A] : memref<2x1x10000xf32, #tpu.memory_space<hbm>> -> memref<1x1x10000xf32, #tpu.memory_space<hbm>>
        %dma_start3A_218 = tpu.memref_squeeze %dma_start3A_217 : memref<1x1x10000xf32, #tpu.memory_space<hbm>> -> memref<10000xf32, #tpu.memory_space<hbm>>
        tpu.enqueue_dma source(%arg4 : memref<10000xf32, #tpu.memory_space<vmem_shared>>) target(%dma_start3A_218 : memref<10000xf32, #tpu.memory_space<hbm>>) target_semaphore(%run_scoped3A_216 : memref<!tpu.dma_semaphore, #tpu.memory_space<semaphore_mem>>)
        %dma_wait3A_219 = arith.constant 0 : i32
        %dma_wait3A_220 = tpu.memref_slice %arg3[%arg0, %run_scoped3A, %dma_wait3A_219] : memref<2x1x10000xf32, #tpu.memory_space<hbm>> -> memref<1x1x10000xf32, #tpu.memory_space<hbm>>
        %dma_wait3A_221 = tpu.memref_squeeze %dma_wait3A_220 : memref<1x1x10000xf32, #tpu.memory_space<hbm>> -> memref<10000xf32, #tpu.memory_space<hbm>>
        tpu.wait_dma2 semaphore(%run_scoped3A_216 : memref<!tpu.dma_semaphore, #tpu.memory_space<semaphore_mem>>) src(%arg4 : memref<10000xf32, #tpu.memory_space<vmem_shared>>) dst(%dma_wait3A_221 : memref<10000xf32, #tpu.memory_space<hbm>>)
        tpu.yield
      }) : () -> ()
    } else {
    }
    return
  }
}

module attributes {stable_mosaic.version = 14 : i64} {
  func.func @body(%arg0: i32, %arg1: memref<2000x128xf32, #tpu.memory_space<vmem>>, %arg2: memref<128x128xf32, #tpu.memory_space<vmem>>, %arg3: memref<2000x128xf32, #tpu.memory_space<vmem>>) attributes {dimension_semantics = [#tpu.dimension_semantics<arbitrary>], iteration_bounds = array<i64: 5>, scalar_prefetch = 0 : i64, scratch_operands = 0 : i64, tpu.core_type = #tpu.core_type<tc>, window_params = [{transform_indices = @transform_0, window_bounds = array<i64: 2000, 128>}, {pipeline_mode = #tpu.pipeline_mode<synchronous>, transform_indices = @transform_1, window_bounds = array<i64: 128, 128>}, {transform_indices = @transform_2, window_bounds = array<i64: 2000, 128>}]} {
    %get3A = arith.constant 0 : index
    %get3A_0 = arith.constant 0 : index
    %get3A_1 = vector.load %arg1[%get3A, %get3A_0] : memref<2000x128xf32, #tpu.memory_space<vmem>>, vector<2000x128xf32>
    %mul3A = arith.mulf %get3A_1, %get3A_1 : vector<2000x128xf32>
    %reduce_sum3A = arith.constant dense<0.000000e+00> : vector<2000xf32>
    %reduce_sum3A_2 = vector.multi_reduction <add>, %mul3A, %reduce_sum3A [1] : vector<2000x128xf32> to vector<2000xf32>
    %broadcast_in_dim3A = vector.shape_cast %reduce_sum3A_2 : vector<2000xf32> to vector<2000x1xf32>
    %sqrt3A = math.sqrt %broadcast_in_dim3A : vector<2000x1xf32>
    %add3A = arith.constant 9.99999993E-9 : f32
    %add3A_3 = vector.broadcast %add3A : f32 to vector<2000x1xf32>
    %add3A_4 = arith.addf %sqrt3A, %add3A_3 : vector<2000x1xf32>
    %div3A = vector.broadcast %add3A_4 : vector<2000x1xf32> to vector<2000x128xf32>
    %div3A_5 = arith.divf %get3A_1, %div3A : vector<2000x128xf32>
    %get3A_6 = arith.constant 0 : index
    %get3A_7 = arith.constant 0 : index
    %get3A_8 = vector.load %arg2[%get3A_6, %get3A_7] : memref<128x128xf32, #tpu.memory_space<vmem>>, vector<128x128xf32>
    %dot_general3A = arith.constant dense<0.000000e+00> : vector<2000x128xf32>
    %dot_general3A_9 = tpu.matmul %div3A_5, %get3A_8, %dot_general3A {dimension_numbers = #tpu.dot_dimension_numbers<[1], [0], [0], [1], [0, 0, 1, 1], [], []>, transpose_lhs_hint = false} : vector<2000x128xf32>, vector<128x128xf32>, vector<2000x128xf32> -> vector<2000x128xf32>
    %swap3A = arith.constant 0 : index
    %swap3A_10 = arith.constant 0 : index
    %swap3A_11 = vector.load %arg3[%swap3A, %swap3A_10] : memref<2000x128xf32, #tpu.memory_space<vmem>>, vector<2000x128xf32>
    tpu.vector_store %arg3[%swap3A, %swap3A_10], %dot_general3A_9 {strides = array<i32>} : memref<2000x128xf32, #tpu.memory_space<vmem>>, vector<2000x128xf32>,
    return
  }
  func.func @transform_0(%arg0: i32) -> (i32, i32) {
    %c0_i32 = arith.constant 0 : i32
    %c0_i32_0 = arith.constant 0 : i32
    return %arg0, %c0_i32 : i32, i32
  }
  func.func @transform_1(%arg0: i32) -> (i32, i32) {
    %c0_i32 = arith.constant 0 : i32
    %c0_i32_0 = arith.constant 0 : i32
    %c0_i32_1 = arith.constant 0 : i32
    return %c0_i32, %c0_i32_0 : i32, i32
  }
  func.func @transform_2(%arg0: i32) -> (i32, i32) {
    %c0_i32 = arith.constant 0 : i32
    %c0_i32_0 = arith.constant 0 : i32
    return %arg0, %c0_i32 : i32, i32
  }
}

module attributes {stable_mosaic.version = 14 : i64} {
  func.func @body(%arg0: i32, %arg1: memref<2000x128xf32, #tpu.memory_space<vmem>>, %arg2: memref<2000x1xf32, #tpu.memory_space<vmem>>, %arg3: memref<2000x128xf32, #tpu.memory_space<vmem>>) attributes {dimension_semantics = [#tpu.dimension_semantics<arbitrary>], iteration_bounds = array<i64: 5>, scalar_prefetch = 0 : i64, scratch_operands = 0 : i64, tpu.core_type = #tpu.core_type<tc>, window_params = [{transform_indices = @transform_0, window_bounds = array<i64: 2000, 128>}, {transform_indices = @transform_1, window_bounds = array<i64: 2000, 1>}, {transform_indices = @transform_2, window_bounds = array<i64: 2000, 128>}]} {
    %get3A = arith.constant 0 : index
    %get3A_0 = arith.constant 0 : index
    %get3A_1 = vector.load %arg2[%get3A, %get3A_0] : memref<2000x1xf32, #tpu.memory_space<vmem>>, vector<2000x1xf32>
    %add3A = arith.constant 1.000000e+00 : f32
    %add3A_2 = vector.broadcast %add3A : f32 to vector<2000x1xf32>
    %add3A_3 = arith.addf %get3A_1, %add3A_2 : vector<2000x1xf32>
    %sqrt3A = math.sqrt %add3A_3 : vector<2000x1xf32>
    %div3A = arith.constant 1.000000e+00 : f32
    %div3A_4 = vector.broadcast %div3A : f32 to vector<2000x1xf32>
    %div3A_5 = arith.divf %div3A_4, %sqrt3A : vector<2000x1xf32>
    %get3A_6 = arith.constant 0 : index
    %get3A_7 = arith.constant 0 : index
    %get3A_8 = vector.load %arg1[%get3A_6, %get3A_7] : memref<2000x128xf32, #tpu.memory_space<vmem>>, vector<2000x128xf32>
    %mul3A = vector.broadcast %div3A_5 : vector<2000x1xf32> to vector<2000x128xf32>
    %mul3A_9 = arith.mulf %get3A_8, %mul3A : vector<2000x128xf32>
    %swap3A = arith.constant 0 : index
    %swap3A_10 = arith.constant 0 : index
    %swap3A_11 = vector.load %arg3[%swap3A, %swap3A_10] : memref<2000x128xf32, #tpu.memory_space<vmem>>, vector<2000x128xf32>
    tpu.vector_store %arg3[%swap3A, %swap3A_10], %mul3A_9 {strides = array<i32>} : memref<2000x128xf32, #tpu.memory_space<vmem>>, vector<2000x128xf32>,
    return
  }
  func.func @transform_0(%arg0: i32) -> (i32, i32) {
    %c0_i32 = arith.constant 0 : i32
    %c0_i32_0 = arith.constant 0 : i32
    return %arg0, %c0_i32 : i32, i32
  }
  func.func @transform_1(%arg0: i32) -> (i32, i32) {
    %c0_i32 = arith.constant 0 : i32
    %c0_i32_0 = arith.constant 0 : i32
    return %arg0, %c0_i32 : i32, i32
  }
  func.func @transform_2(%arg0: i32) -> (i32, i32) {
    %c0_i32 = arith.constant 0 : i32
    %c0_i32_0 = arith.constant 0 : i32
    return %arg0, %c0_i32 : i32, i32
  }
}

module attributes {stable_mosaic.version = 14 : i64} {
  func.func @body(%arg0: i32, %arg1: memref<2x2000x128xf32, #tpu.memory_space<vmem>>, %arg2: memref<2000x128xf32, #tpu.memory_space<vmem>>, %arg3: memref<2000x1xf32, #tpu.memory_space<vmem>>, %arg4: memref<1x128xf32, #tpu.memory_space<vmem>>, %arg5: memref<2000x128xf32, #tpu.memory_space<vmem>>) attributes {dimension_semantics = [#tpu.dimension_semantics<arbitrary>], iteration_bounds = array<i64: 5>, scalar_prefetch = 0 : i64, scratch_operands = 0 : i64, tpu.core_type = #tpu.core_type<tc>, window_params = [{transform_indices = @transform_0, window_bounds = array<i64: 2, 2000, 128>}, {transform_indices = @transform_1, window_bounds = array<i64: 2000, 128>}, {transform_indices = @transform_2, window_bounds = array<i64: 2000, 1>}, {pipeline_mode = #tpu.pipeline_mode<synchronous>, transform_indices = @transform_3, window_bounds = array<i64: 1, 128>}, {transform_indices = @transform_4, window_bounds = array<i64: 2000, 128>}]} {
    %get3A = arith.constant 0 : index
    %get3A_0 = arith.constant 0 : index
    %get3A_1 = vector.load %arg3[%get3A, %get3A_0] : memref<2000x1xf32, #tpu.memory_space<vmem>>, vector<2000x1xf32>
    %add3A = arith.constant 1.000000e+00 : f32
    %add3A_2 = vector.broadcast %add3A : f32 to vector<2000x1xf32>
    %add3A_3 = arith.addf %get3A_1, %add3A_2 : vector<2000x1xf32>
    %sqrt3A = math.sqrt %add3A_3 : vector<2000x1xf32>
    %div3A = arith.constant 1.000000e+00 : f32
    %div3A_4 = vector.broadcast %div3A : f32 to vector<2000x1xf32>
    %div3A_5 = arith.divf %div3A_4, %sqrt3A : vector<2000x1xf32>
    %get3A_6 = arith.constant 0 : index
    %get3A_7 = arith.constant 0 : index
    %get3A_8 = arith.constant 0 : index
    %get3A_9 = vector.load %arg1[%get3A_6, %get3A_7, %get3A_8] : memref<2x2000x128xf32, #tpu.memory_space<vmem>>, vector<1x2000x128xf32>
    %get3A_10 = vector.shape_cast %get3A_9 : vector<1x2000x128xf32> to vector<2000x128xf32>
    %get3A_11 = arith.constant 1 : index
    %get3A_12 = arith.constant 0 : index
    %get3A_13 = arith.constant 0 : index
    %get3A_14 = vector.load %arg1[%get3A_11, %get3A_12, %get3A_13] : memref<2x2000x128xf32, #tpu.memory_space<vmem>>, vector<1x2000x128xf32>
    %get3A_15 = vector.shape_cast %get3A_14 : vector<1x2000x128xf32> to vector<2000x128xf32>
    %add3A_16 = arith.addf %get3A_10, %get3A_15 : vector<2000x128xf32>
    %get3A_17 = arith.constant 0 : index
    %get3A_18 = arith.constant 0 : index
    %get3A_19 = vector.load %arg2[%get3A_17, %get3A_18] : memref<2000x128xf32, #tpu.memory_space<vmem>>, vector<2000x128xf32>
    %sub3A = arith.subf %add3A_16, %get3A_19 : vector<2000x128xf32>
    %mul3A = vector.broadcast %div3A_5 : vector<2000x1xf32> to vector<2000x128xf32>
    %mul3A_20 = arith.mulf %sub3A, %mul3A : vector<2000x128xf32>
    %get3A_21 = arith.constant 0 : index
    %get3A_22 = arith.constant 0 : index
    %get3A_23 = vector.load %arg4[%get3A_21, %get3A_22] : memref<1x128xf32, #tpu.memory_space<vmem>>, vector<1x128xf32>
    %add3A_24 = vector.broadcast %get3A_23 : vector<1x128xf32> to vector<2000x128xf32>
    %add3A_25 = arith.addf %mul3A_20, %add3A_24 : vector<2000x128xf32>
    %swap3A = arith.constant 0 : index
    %swap3A_26 = arith.constant 0 : index
    %swap3A_27 = vector.load %arg5[%swap3A, %swap3A_26] : memref<2000x128xf32, #tpu.memory_space<vmem>>, vector<2000x128xf32>
    tpu.vector_store %arg5[%swap3A, %swap3A_26], %add3A_25 {strides = array<i32>} : memref<2000x128xf32, #tpu.memory_space<vmem>>, vector<2000x128xf32>,
    return
  }
  func.func @transform_0(%arg0: i32) -> (i32, i32, i32) {
    %c0_i32 = arith.constant 0 : i32
    %c0_i32_0 = arith.constant 0 : i32
    %c0_i32_1 = arith.constant 0 : i32
    return %c0_i32, %arg0, %c0_i32_0 : i32, i32, i32
  }
  func.func @transform_1(%arg0: i32) -> (i32, i32) {
    %c0_i32 = arith.constant 0 : i32
    %c0_i32_0 = arith.constant 0 : i32
    return %arg0, %c0_i32 : i32, i32
  }
  func.func @transform_2(%arg0: i32) -> (i32, i32) {
    %c0_i32 = arith.constant 0 : i32
    %c0_i32_0 = arith.constant 0 : i32
    return %arg0, %c0_i32 : i32, i32
  }
  func.func @transform_3(%arg0: i32) -> (i32, i32) {
    %c0_i32 = arith.constant 0 : i32
    %c0_i32_0 = arith.constant 0 : i32
    %c0_i32_1 = arith.constant 0 : i32
    return %c0_i32, %c0_i32_0 : i32, i32
  }
  func.func @transform_4(%arg0: i32) -> (i32, i32) {
    %c0_i32 = arith.constant 0 : i32
    %c0_i32_0 = arith.constant 0 : i32
    return %arg0, %c0_i32 : i32, i32
  }
}

</mosaic_0001>

<sc_bundles>
// kernel: kernel.10.cloned.1.call-start
scs
__scs_entry_jumppad:
0x0: {  	(pc) =	sbr.rel $0x88, $3  }
0x1: {  	(tag) =	ssettag $0x0;
	lr =	simm.s32 $0x1  }
0x2: {  	[smem:$0x3F9D] =	sst lr;
	_ =	strace $0xD0000000  }
0x3: {  	_ = 	snop  }
0x4: {  	_ = 	snop  }
0x5: {  	_ = 	snop  }
0x6: {  	_ = 	snop  }
0x7: {  	_ = 	snop  }
__scs_overlays_trampoline_lowered:
0x8: {  	[smem:$0x3FAC] =	sst s0  }
0x9: {  	[smem:$0x3FAD] =	sst s1  }
0xa: {  	[smem:$0x3FAE] =	sst s2  }
0xb: {  	[smem:$0x3FAF] =	sst s3  }
0xc: {  	[smem:$0x3FB0] =	sst s4  }
0xd: {  	[smem:$0x3FB1] =	sst s5  }
0xe: {  	[smem:$0x3FB2] =	sst s6  }
0xf: {  	[smem:$0x3FB3] =	sst s7  }
0x10: {  	[smem:$0x3FB4] =	sst s8  }
0x11: {  	[smem:$0x3FB5] =	sst s9;
	s0 =	simm.s32 @!p0 $0x0  }
0x12: {  	s1 =	sld [smem:$0x3F9B];
	s0 =	simm.s32 @p0 $0x1  }
0x13: {  	[smem:$0x3FB6] =	sst s0;
	s0 =	simm.s32 @!p1 $0x0  }
0x14: {  	s2 =	sld [smem:$0x3F9A];
	s0 =	simm.s32 @p1 $0x1  }
0x15: {  	[smem:$0x3FB7] =	sst s0;
	s0 =	simm.s32 @!p2 $0x0  }
0x16: {  	s3 =	sld [smem:$0x3FDB];
	s0 =	simm.s32 @p2 $0x1  }
0x17: {  	s4 =	simm.s32 $0x1BF5;
	[smem:$0x3FB9] =	sst s0  }
0x18: {  	s0 =	sld [smem:$0x3F9C];
	_ =	swait.ge [sflag:s4], $0x0  }
0x19: {  	s7 =	sld [smem:$0x3F9D]  }
0x1a: {  	s8 =	sadd.s32 $0xFFFFE003, lr  }
0x1b: {  	s9 =	sadd.s32 $0xFFFFFEF7, lr;
	s5 =	simm.s32 $0xFFFFFFFF;
	p2 =	slt.u32 s8, $0xFFFFF086  }
0x1c: {  	p1 =	slt.u32 s9, $0xF7A;
	s5 =	simm.s32 @!p2 $0x0  }
0x1d: {  	s5 =	simm.s32 @p1 $0x1;
	p0 =	seq.s32 s7, s2  }
0x1e: {  	s7 =	smul.u32 @!p0 $0xF7A, s2;
	p2 =	seq.s32 @!p0 s5, $0x0  }
0x1f: {  	s9 =	smul.u32 $0xF7A, s1;
	s8 =	simm.s32 @!p0 $0x1BF5;
	p2 =	por !p2, p0  }
0x20: {  	[sflag:s8] =	ssyncset.s32 @!p0 $0xFFFFF086;
	s6 =	sadd.s32 @!p0 s3, s7;
	s7 =	simm.s32 @!p0 $0x108  }
0x21: {  	s3 =	sadd.s32 s3, s9;
	s6 =	sadd.s32 @!p0 $0x88, s6;
	s7 =	simm.s32 @p2 $0x1082  }
0x22: {  	[simem:s7], [sflag:s8] =	dma.local @!p0 [hbm:s6], $0xF7A  }
0x23: {  	s9 =	sor.u32 $0xD0000000, s2;
	s6 =	simm.s32 $0x108;
	_ =	swait.ge @!p0 [sflag:s8], $0x0  }
0x24: {  	s3 =	sadd.s32 $0x88, s3;
	s6 =	simm.s32 @!p1 $0x1082;
	[sflag:s4] =	ssyncset.s32 $0xFFFFF086  }
0x25: {  	[simem:s6], [sflag:s4] =	dma.local [hbm:s3], $0xF7A  }
0x26: {  	[smem:$0x3F9D] =	sst s1;
	(tag) =	ssettag s2;
	_ =	strace s9  }
0x27: {  	s1 =	sld [smem:$0x3FAD]  }
0x28: {  	s2 =	sld [smem:$0x3FAE]  }
0x29: {  	s4 =	sld [smem:$0x3FB0]  }
0x2a: {  	p0 =	seq.s32 s5, $0x0;
	s5 =	sld [smem:$0x3FB1]  }
0x2b: {  	s6 =	sld [smem:$0x3FB2]  }
0x2c: {  	s7 =	sld [smem:$0x3FB3]  }
0x2d: {  	s3 =	simm.s32 $0x108;
	s8 =	sld [smem:$0x3FB4]  }
0x2e: {  	s3 =	simm.s32 @!p0 $0x1082;
	s9 =	sld [smem:$0x3FB5]  }
0x2f: {  	lr =	sadd.s32 s0, s3;
	s0 =	sld [smem:$0x3FAC]  }
0x30: {  	s3 =	sld [smem:$0x3FAF]  }
0x31: {  	[smem:$0x3FB8] =	sst s10  }
0x32: {  	s10 =	sld [smem:$0x3FB6];
	_ =	sdelay $0x3  }
0x33: {  	p0 =	seq.s32 s10, $0x1;
	s10 =	sld [smem:$0x3FB8];
	_ =	sdelay $0x3  }
0x34: {  	[smem:$0x3FB8] =	sst s10  }
0x35: {  	s10 =	sld [smem:$0x3FB7];
	_ =	sdelay $0x3  }
0x36: {  	p1 =	seq.s32 s10, $0x1;
	s10 =	sld [smem:$0x3FB8];
	_ =	sdelay $0x3  }
0x37: {  	[smem:$0x3FB8] =	sst s10  }
0x38: {  	s10 =	sld [smem:$0x3FB9]  }
0x39: {  	_ = 	snop;
	(pc) =	sbr.ind lr, $3  }
0x3a: {  	_ = 	snop  }
0x3b: {  	_ = 	snop  }
0x3c: {  	p2 =	seq.s32 s10, $0x1;
	s10 =	sld [smem:$0x3FB8]  }
0x3d: {  	_ =	shalt  }
0x3e: {  	_ =	shalt  }
0x3f: {  	_ =	shalt  }
0x40: {  	_ =	shalt  }
0x41: {  	_ =	shalt  }
0x42: {  	_ =	shalt  }
0x43: {  	_ =	shalt  }
0x44: {  	_ =	shalt  }
0x45: {  	_ =	shalt  }
0x46: {  	_ =	shalt  }
0x47: {  	_ =	shalt  }
0x48: {  	_ =	shalt  }
0x49: {  	_ =	shalt  }
0x4a: {  	_ =	shalt  }
0x4b: {  	_ =	shalt  }
0x4c: {  	_ =	shalt  }
0x4d: {  	_ =	shalt  }
0x4e: {  	_ =	shalt  }
0x4f: {  	_ =	shalt  }
0x50: {  	_ =	shalt  }
0x51: {  	_ =	shalt  }
0x52: {  	_ =	shalt  }
0x53: {  	_ =	shalt  }
0x54: {  	_ =	shalt  }
0x55: {  	_ =	shalt  }
0x56: {  	_ =	shalt  }
0x57: {  	_ =	shalt  }
0x58: {  	_ =	shalt  }
0x59: {  	_ =	shalt  }
0x5a: {  	_ =	shalt  }
0x5b: {  	_ =	shalt  }
0x5c: {  	_ =	shalt  }
0x5d: {  	_ =	shalt  }
0x5e: {  	_ =	shalt  }
0x5f: {  	_ =	shalt  }
0x60: {  	_ =	shalt  }
0x61: {  	_ =	shalt  }
0x62: {  	_ =	shalt  }
0x63: {  	_ =	shalt  }
0x64: {  	_ =	shalt  }
0x65: {  	_ =	shalt  }
0x66: {  	_ =	shalt  }
0x67: {  	_ =	shalt  }
0x68: {  	_ =	shalt  }
0x69: {  	_ =	shalt  }
0x6a: {  	_ =	shalt  }
0x6b: {  	_ =	shalt  }
0x6c: {  	_ =	shalt  }
0x6d: {  	_ =	shalt  }
0x6e: {  	_ =	shalt  }
0x6f: {  	_ =	shalt  }
0x70: {  	_ =	shalt  }
0x71: {  	_ =	shalt  }
0x72: {  	_ =	shalt  }
0x73: {  	_ =	shalt  }
0x74: {  	_ =	shalt  }
0x75: {  	_ =	shalt  }
0x76: {  	_ =	shalt  }
0x77: {  	_ =	shalt  }
0x78: {  	_ =	shalt  }
0x79: {  	_ =	shalt  }
0x7a: {  	_ =	shalt  }
0x7b: {  	_ =	shalt  }
0x7c: {  	_ =	shalt  }
0x7d: {  	_ =	shalt  }
0x7e: {  	_ =	shalt  }
0x7f: {  	_ =	shalt  }
0x80: {  	_ =	shalt  }
0x81: {  	_ =	shalt  }
0x82: {  	_ =	shalt  }
0x83: {  	_ =	shalt  }
0x84: {  	_ =	shalt  }
0x85: {  	_ =	shalt  }
0x86: {  	_ =	shalt  }
0x87: {  	_ =	shalt  }
.Lfunc_end0:
.L_simem_size_0:
called_computation.1_lowered:
.L_overlay_start_0:
0x88: {  	s2 =	sld [smem:$0x3FD9]  }
0x89: {  	s3 =	sld [smem:$0x3FFE];
	_ =	sdelay $0x1  }
0x8a: {  	s1 =	srdreg.scid  }
0x8b: {  	s0 =	sand.u32 $0x1, s1  }
0x8c: {  	s17 =	sshll.u32 s0, $0xA;
	s2 =	sadd.s32 s3, s2  }
0x8d: {  	s2 =	sadd.s32 s2, s17  }
0x8e: {  	[smem:$0x3FC4] =	sst s2  }
0x8f: {  	_ = 	snop  }
0x90: {  	s2 =	sld [smem:$0x3FC8]  }
0x91: {  	s18 =	sld [smem:$0x3FD0];
	(tm) =	ssettm $0x1  }
0x92: {  	s4 =	sld [smem:$0x3FFB];
	_ =	sdelay $0x3  }
0x93: {  	_ =	strace s4  }
0x94: {  	s4 =	sld [smem:$0x3FFC];
	_ =	sdelay $0x3  }
0x95: {  	_ =	strace s4  }
0x96: {  	s4 =	sld [smem:$0x3FFD];
	_ =	sdelay $0x3  }
0x97: {  	_ =	strace s4  }
0x98: {  	_ =	strace $0x8FFFFFFF  }
0x99: {  	s19 =	sld [smem:$0x3FDB];
	_ =	sdelay $0x1  }
0x9a: {  	s5 =	simm.s32 $_scs_section_size  }
0x9b: {  	s6 =	simm.s32 $_size__tile_overlayer_lowered;
	s7 =	simm.s32 $_tile_overlayer_lowered  }
0x9c: {  	s22 =	simm.s32 $0x1BFF;
	s21 =	sshll.u32 s7, $0x1;
	s4 =	sadd.s32 s5, s19  }
0x9d: {  	s8 =	simm.s32 $0x0;
	s20 =	sshll.u32 s6, $0x1;
	s6 =	sadd.s32 s21, s4  }
0x9e: {  	[timem:s8], [sflag:s22] =	dma.local [hbm:s6], s20  }
0x9f: {  	_ =	swait.ge [sflag:s22], s20  }
0xa0: {  	s5 =	ssub.s32 $0x0, s20;
	[sflag:s22] =	ssyncset.done $0x0  }
0xa1: {  	[sflag:s22] =	ssyncadd.s32 s5;
	_ =	sdelay $0x1  }
0xa2: {  	s23 =	simm.s32 $0x1B8B  }
0xa3: {  	_ =	swait.ge [sflag:s23], $0x1  }
0xa4: {  	[sflag:s23] =	ssyncset.done $0x0  }
0xa5: {  	s25 =	simm.s32 $0x1B8E;
	s24 =	sld [smem:$0x3FFE];
	[sflag:s23] =	ssyncadd.s32 $0xFFFFFFFF  }
0xa6: {  	s26 =	simm.s32 $execute0_lowered;
	[smem:$0x3FD2] =	sst s25  }
0xa7: {  	s6 =	sshll.u32 s26, $0x1;
	_ =	strace $0x80000049;
	[dreg:$0x1] =	wrdreg $0xFFFFFFFF  }
0xa8: {  	s28 =	simm.s32 $_size_execute0_lowered;
	s4 =	sadd.s32 s4, s6;
	[dreg:$0x0] =	wrdreg $0x0  }
0xa9: {  	s6 =	sshll.u32 s28, $0x1;
	[dreg:$0x2] =	wrdreg s4  }
0xaa: {  	[dreg:$0x3] =	wrdreg s6  }
0xab: {  	[dreg:$0x4] =	wrdreg $0xC0  }
0xac: {  	_ =	task [dreg:s8], $0x5FFFF  }
0xad: {  	[dreg:$0x1] =	wrdreg $0xFFFFFFFF  }
0xae: {  	[dreg:$0x0] =	wrdreg $0x60  }
0xaf: {  	[dreg:$0x2] =	wrdreg s18  }
0xb0: {  	[dreg:$0x3] =	wrdreg s2  }
0xb1: {  	[dreg:$0x4] =	wrdreg s24  }
0xb2: {  	[dreg:$0x5] =	wrdreg $0x0  }
0xb3: {  	[dreg:$0x6] =	wrdreg $0x9  }
0xb4: {  	_ =	task.clear_ibuf [dreg:s8], $0x7FFFF;
	_ =	strace $0x90000049  }
0xb5: {  	s29 =	simm.s32 $0x9;
	_ =	strace $0x8000004B  }
0xb6: {  	_ =	swait.ge [sflag:s29], $0x1  }
0xb7: {  	[sflag:s29] =	ssyncadd.s32 $0xFFFFFFFF  }
0xb8: {  	_ =	strace $0x9000004B  }
0xb9: {  	_ =	sfence  }
0xba: {  	s30 =	sld [smem:$0x0];
	_ =	sdelay $0x2  }
0xbb: {  	s31 =	sshll.u32 s1, $0xD;
	s1 =	sshrl.u32 s1, $0x2  }
0xbc: {  	s3 =	sand.u32 $0x4000, s31;
	s1 =	sadd.s32 s1, s30  }
0xbd: {  	s0 =	sor.u32 s3, s0;
	s1 =	sshll.u32 s1, $0x11  }
0xbe: {  	s0 =	sor.u32 s1, s0  }
0xbf: {  	s0 =	sadd.s32 $0x8F2B, s0  }
0xc0: {  	[sflag:s0] =	ssyncadd.remote.s32 $0x1  }
0xc1: {  	_ =	sfence.sel $0xFFFF  }
0xc2: {  	[dreg:$0x0] =	wrdreg $0xFFFFFFFF;
	(pc) =	sbr.abs _section_cstart, $3  }
0xc3: {  	[dreg:$0x1] =	wrdreg $0xFFFFFFFF  }
0xc4: {  	_ =	task.clear_ibuf [dreg:s8], $0x2FFFF;
	_ =	strace $0x9FFFFFFF  }
0xc5: {  	(tm) =	ssettm $0x7FFFFFFF  }
tec
execute0_lowered:
.L_overlay_start_1:
0x0: {  	(tag) =	ssettag $0x1  }
0x1: {  	s1 =	rddreg [dreg:$0x0]  }
0x2: {  	s0 =	rddreg [dreg:$0x1]  }
0x3: {  	s3 =	rddreg [dreg:$0x2]  }
0x4: {  	s2 =	rddreg [dreg:$0x3]  }
0x5: {  	s4 =	simm.s32 $0x0;
	s5 =	srdreg.scid;
	s11 =	stileid.u32  }
0x6: {  	s28 =	simm.s32 $0x17C80;
	s29 =	simm.s32 $0x13A80;
	s30 =	simm.s32 $0x1  }
0x7: {  	s31 =	simm.s32 $0x13900;
	[smem:$0x7FF] =	sst s4;
	s9 =	smul.u32 $0x4E000, s11  }
0x8: {  	s5 =	sand.u32 $0x1, s5;
	s7 =	sshll.u32 s11, $0x1;
	s10 =	smul.u32 $0x2700, s11  }
0x9: {  	s3 =	sadd.s32 $0x1400, s3;
	s16 =	smul.u32 $0x9C, s11;
	s13 =	sadd.s32 $0x124800, s2  }
0xa: {  	s14 =	sadd.s32 $0x24900, s1;
	s19 =	smul.u32 $0x13800, s11;
	p0 =	seq.s32 s11, $0xF  }
0xb: {  	p1 =	sgt.u32 s11, $0x1;
	_ =	strace $0x8000004A;
	s6 =	ssub.s32 $0x2, s5  }
0xc: {  	s7 =	sor.u32 s5, s7;
	s17 =	smul.u32 $0x4E, s5;
	[dreg:$0x9] =	wrdreg s14  }
0xd: {  	s5 =	smul.u32 $0x138800, s5;
	[dreg:$0x8] =	wrdreg s13;
	s14 =	simm.s32 $0x0  }
0xe: {  	s8 =	sshrl.u32 s6, $0x1;
	s15 =	smul.u32 $0x4E, s7;
	s7 =	smin.u32 s7, $0x4  }
0xf: {  	s9 =	sshrl.u32 s9, $0x2;
	s10 =	sadd.s32 s1, s10;
	s6 =	ssub.s32 s6, s8  }
0x10: {  	s12 =	sadd.s32 s9, s2;
	[dreg:$0x7] =	wrdreg s10;
	s9 =	sadd.s32 s17, s16  }
0x11: {  	s22 =	sshrl.u32 s5, $0x3;
	s5 =	sadd.s32 s19, s5;
	s10 =	simm.s32 $0x13C00  }
0x12: {  	s8 =	sadd.s32 s7, s15;
	s7 =	sadd.s32 s7, s9;
	s23 =	sadd.s32 s3, s22  }
0x13: {  	s5 =	sshrl.u32 s5, $0x3;
	s26 =	smax.u32 s6, $0x1;
	[dreg:$0x6] =	wrdreg s12  }
0x14: {  	s22 =	simm.s32 $0x13980;
	s6 =	simm.s32 $0x6;
	s8 =	sshll.u32 s8, $0x5  }
0x15: {  	s7 =	sshll.u32 s7, $0x5;
	s24 =	sadd.s32 $0x24900, s23;
	s3 =	sadd.s32 s3, s5  }
0x16: {  	[dreg:$0xf] =	wrdreg s26;
	s23 =	simm.s32 $0x3;
	s26 =	simm.s32 $0x4  }
0x17: {  	s5 =	simm.s32 $0x13A00;
	s18 =	sadd.s32 s0, s8;
	[dreg:$0xd] =	wrdreg s24  }
0x18: {  	s0 =	sadd.s32 s7, s0;
	[dreg:$0xe] =	wrdreg s3;
	s3 =	sshll.u32 @!p0 s11, $0x6  }
0x19: {  	s24 =	simm.s32 $0x80;
	s7 =	simm.s32 $0x13B80;
	s8 =	simm.s32 $0x13B00  }
0x1a: {  	s20 =	sadd.s32 $0x20, s18;
	[dreg:$0xa] =	wrdreg s18;
	s21 =	sadd.s32 $0x9C0, s18  }
0x1b: {  	s25 =	sadd.s32 $0xA0, s0;
	s15 =	sadd.s32 $0x80, s0;
	[dreg:$0xb] =	wrdreg s20  }
0x1c: {  	s16 =	sadd.s32 $0x60, s0;
	s17 =	sadd.s32 $0x40, s0;
	[dreg:$0xc] =	wrdreg s21  }
.Ltmp0:
0x1d: {  	s0 =	sshrl.u32 @p0 s13, $0x3;
	[dreg:$0x5] =	wrdreg s25;
	(pc) =	sbr.rel .LBB2_1-.Ltmp0, $4  }
0x1e: {  	s11 =	simm.s32 $0x9;
	s13 =	simm.s32 $0x8;
	[dreg:$0x10] =	wrdreg s0  }
0x1f: {  	s0 =	sor.u32 @!p0 $0x1C09, s3;
	s21 =	simm.s32 $0x13880;
	s25 =	simm.s32 $0x13C80  }
0x20: {  	s3 =	simm.s32 $0x2;
	[dreg:$0x11] =	wrdreg s0;
	s0 =	sshrl.u32 @!p0 s12, $0x3  }
0x21: {  	s12 =	simm.s32 $0x5;
	[dreg:$0x12] =	wrdreg s0;
	s0 =	simm.s32 $0x7  }
.LBB2_7:
0x22: {  	s9 =	rddreg [dreg:$0x8]  }
0x23: {  	s18 =	rddreg [dreg:$0xd];
	s19 =	simm.s32 $0x1FC9;
	s9 =	sshrl.u32 s9, $0x3  }
0x24: {  	[hbm:s18], [sflag:s19] =	dma.local [spmem:s9], $0x2800  }
0x25: {  	_ =	swait.ge [sflag:s11], $0x2800  }
0x26: {  	[sflag:s11] =	ssyncset.done $0x0  }
0x27: {  	[sflag:s11] =	ssyncadd.s32 $0xFFFFD800  }
.LBB2_8:
0x28: {  	s14 =	sadd.s32 $0x1, s14;
	s9 =	rddreg [dreg:$0xf]  }
0x29: {  	p2 =	sne.s32 s14, s9  }
.Ltmp1:
0x2a: {  	_ = 	snop;
	(pc) =	sbr.rel @!p2 .LBB2_9-.Ltmp1, $1  }
0x2b: {  	_ =	sdelay $0x3  }
.LBB2_1:
0x2c: {  	s18 =	rddreg [dreg:$0x9]  }
0x2d: {  	s9 =	simm.s32 @p0 $0x1FC9;
	s19 =	rddreg [dreg:$0x10]  }
0x2e: {  	[spmem:s19], [sflag:s9] =	dma.local @p0 [hbm:s18], $0x2800  }
0x2f: {  	s9 =	simm.s32 @p0 $0x9  }
0x30: {  	_ =	swait.ge @p0 [sflag:s9], $0x2800  }
0x31: {  	s18 =	rddreg [dreg:$0x11]  }
0x32: {  	[sflag:s9] =	ssyncset.done @p0 $0x0;
	s19 =	rddreg [dreg:$0x12]  }
0x33: {  	[sflag:s9] =	ssyncadd.s32 @p0 $0xFFFFD800;
	s9 =	rddreg [dreg:$0x7]  }
0x34: {  	[spmem:s19], [sflag:s18] =	dma.local @!p0 [hbm:s9], $0x2700  }
0x35: {  	s9 =	simm.s32 @!p0 $0x9  }
0x36: {  	_ =	swait.ge @!p0 [sflag:s9], $0x2700  }
0x37: {  	[sflag:s9] =	ssyncset.done @!p0 $0x0  }
0x38: {  	[sflag:s9] =	ssyncadd.s32 @!p0 $0xFFFFD900  }
0x39: {  	[bflag:$0x0] =	sbarrier.arrive $0xFFFF  }
0x3a: {  	s18 =	rddreg [dreg:$0xa]  }
0x3b: {  	[tilespmem:s21], [sflag:$0x3] =	stream.linear.gather [hbm4b:s18+s4], $0x100, $0x38;
	[tilespmem:$0x1BC80] =	vst v63  }
0x3c: {  	s19 =	rddreg [dreg:$0xb]  }
0x3d: {  	[tilespmem:s22], [sflag:$0x4] =	stream.linear.gather [hbm4b:s19+s4], $0x100, $0x38;
	[tilespmem:$0x1BC80] =	vst v63  }
0x3e: {  	_ =	swait.ge [sflag:s23], $0x100  }
0x3f: {  	[sflag:s23] =	ssyncset.done $0x0  }
0x40: {  	[sflag:s23] =	ssyncadd.s32 $0xFFFFFF00  }
0x41: {  	[tilespmem:s25], [sflag:$0x1] =	stream.indirect.gather [hbm4b:s1+s24], $0x80, s21, s24, $0xb8;
	[tilespmem:$0x1BC80] =	vst v63  }
0x42: {  	_ =	swait.ge [sflag:s26], $0x100  }
0x43: {  	[sflag:s26] =	ssyncset.done $0x0  }
0x44: {  	[sflag:s26] =	ssyncadd.s32 $0xFFFFFF00  }
0x45: {  	[tilespmem:s28], [sflag:$0x2] =	stream.indirect.gather [hbm4b:s1+s24], $0x80, s22, s24, $0xb8;
	[tilespmem:$0x1BC80] =	vst v63  }
0x46: {  	s20 =	sadd.s32 $0x0, s17  }
0x47: {  	[tilespmem:s29], [sflag:$0x5] =	stream.linear.gather [hbm4b:s20+s4], $0x100, $0x38;
	[tilespmem:$0x1BC80] =	vst v63  }
0x48: {  	_ =	swait.ge [sflag:s30], $0x4000  }
0x49: {  	[sflag:s30] =	ssyncset.done $0x0  }
0x4a: {  	[sflag:s30] =	ssyncadd.s32 $0xFFFFC000  }
0x4b: {  	[spmem:s2] =	stream.indirect.scatter.add.f32 [tilespmem:s25], [sflag:$0x7], $0x80, s31, s24, $0xb8;
	[tilespmem:$0x1BC80] =	vst v63  }
0x4c: {  	_ =	swait.ge [sflag:s0], $0x4000  }
0x4d: {  	[sflag:s0] =	ssyncset.done $0x0  }
0x4e: {  	[sflag:s0] =	ssyncadd.s32 $0xFFFFC000  }
0x4f: {  	_ =	swait.ge [sflag:s12], $0x100  }
0x50: {  	[sflag:s12] =	ssyncset.done $0x0  }
0x51: {  	[sflag:s12] =	ssyncadd.s32 $0xFFFFFF00  }
0x52: {  	[tilespmem:s25], [sflag:$0x1] =	stream.indirect.gather [hbm4b:s1+s24], $0x80, s29, s24, $0xb8;
	[tilespmem:$0x1BC80] =	vst v63  }
0x53: {  	s18 =	sadd.s32 $0x0, s16  }
0x54: {  	[tilespmem:s7], [sflag:$0x6] =	stream.linear.gather [hbm4b:s18+s4], $0x100, $0x38;
	[tilespmem:$0x1BC80] =	vst v63  }
0x55: {  	_ =	swait.ge [sflag:s3], $0x4000  }
0x56: {  	[sflag:s3] =	ssyncset.done $0x0  }
0x57: {  	[sflag:s3] =	ssyncadd.s32 $0xFFFFC000  }
0x58: {  	[spmem:s2] =	stream.indirect.scatter.add.f32 [tilespmem:s28], [sflag:$0x8], $0x80, s5, s24, $0xb8;
	[tilespmem:$0x1BC80] =	vst v63  }
0x59: {  	_ =	swait.ge [sflag:s13], $0x4000  }
0x5a: {  	[sflag:s13] =	ssyncset.done $0x0  }
0x5b: {  	[sflag:s13] =	ssyncadd.s32 $0xFFFFC000  }
0x5c: {  	_ =	swait.ge [sflag:s6], $0x100  }
0x5d: {  	[sflag:s6] =	ssyncset.done $0x0  }
0x5e: {  	[sflag:s6] =	ssyncadd.s32 $0xFFFFFF00  }
0x5f: {  	[tilespmem:s28], [sflag:$0x2] =	stream.indirect.gather [hbm4b:s1+s24], $0x80, s7, s24, $0xb8;
	[tilespmem:$0x1BC80] =	vst v63  }
0x60: {  	s19 =	sadd.s32 $0x0, s15  }
0x61: {  	[tilespmem:s21], [sflag:$0x3] =	stream.linear.gather [hbm4b:s19+s4], $0x100, $0x38;
	[tilespmem:$0x1BC80] =	vst v63  }
0x62: {  	_ =	swait.ge [sflag:s30], $0x4000  }
0x63: {  	[sflag:s30] =	ssyncset.done $0x0  }
0x64: {  	[sflag:s30] =	ssyncadd.s32 $0xFFFFC000  }
0x65: {  	[spmem:s2] =	stream.indirect.scatter.add.f32 [tilespmem:s25], [sflag:$0x7], $0x80, s8, s24, $0xb8;
	[tilespmem:$0x1BC80] =	vst v63  }
0x66: {  	_ =	swait.ge [sflag:s0], $0x4000  }
0x67: {  	[sflag:s0] =	ssyncset.done $0x0  }
0x68: {  	[sflag:s0] =	ssyncadd.s32 $0xFFFFC000  }
0x69: {  	_ =	swait.ge [sflag:s23], $0x100  }
0x6a: {  	[sflag:s23] =	ssyncset.done $0x0  }
0x6b: {  	s20 =	rddreg [dreg:$0x5];
	[sflag:s23] =	ssyncadd.s32 $0xFFFFFF00  }
0x6c: {  	[tilespmem:s25], [sflag:$0x1] =	stream.indirect.gather [hbm4b:s1+s24], $0x80, s21, s24, $0xb8;
	[tilespmem:$0x1BC80] =	vst v63  }
0x6d: {  	s9 =	sadd.s32 $0x0, s20  }
0x6e: {  	[tilespmem:s22], [sflag:$0x4] =	stream.linear.gather [hbm4b:s9+s4], $0x100, $0x38;
	[tilespmem:$0x1BC80] =	vst v63  }
0x6f: {  	_ =	swait.ge [sflag:s3], $0x4000  }
0x70: {  	[sflag:s3] =	ssyncset.done $0x0  }
0x71: {  	[sflag:s3] =	ssyncadd.s32 $0xFFFFC000  }
0x72: {  	[spmem:s2] =	stream.indirect.scatter.add.f32 [tilespmem:s28], [sflag:$0x8], $0x80, s10, s24, $0xb8;
	[tilespmem:$0x1BC80] =	vst v63  }
0x73: {  	_ =	swait.ge [sflag:s13], $0x4000  }
0x74: {  	[sflag:s13] =	ssyncset.done $0x0  }
0x75: {  	[sflag:s13] =	ssyncadd.s32 $0xFFFFC000  }
0x76: {  	_ =	swait.ge [sflag:s26], $0x100  }
0x77: {  	[sflag:s26] =	ssyncset.done $0x0  }
0x78: {  	s9 =	simm.s32 $0x80;
	[sflag:s26] =	ssyncadd.s32 $0xFFFFFF00  }
.LBB2_2:
0x79: {  	[tilespmem:s28], [sflag:$0x2] =	stream.indirect.gather [hbm4b:s1+s24], $0x80, s22, s24, $0xb8;
	[tilespmem:$0x1BC80] =	vst v63  }
0x7a: {  	s18 =	smov.u32 s9  }
0x7b: {  	s19 =	sadd.s32 s18, s17  }
0x7c: {  	[tilespmem:s29], [sflag:$0x5] =	stream.linear.gather [hbm4b:s19+s4], $0x100, $0x38;
	[tilespmem:$0x1BC80] =	vst v63  }
0x7d: {  	_ =	swait.ge [sflag:s30], $0x4000  }
0x7e: {  	[sflag:s30] =	ssyncset.done $0x0  }
0x7f: {  	[sflag:s30] =	ssyncadd.s32 $0xFFFFC000  }
0x80: {  	[spmem:s2] =	stream.indirect.scatter.add.f32 [tilespmem:s25], [sflag:$0x7], $0x80, s31, s24, $0xb8;
	[tilespmem:$0x1BC80] =	vst v63  }
0x81: {  	_ =	swait.ge [sflag:s0], $0x4000  }
0x82: {  	[sflag:s0] =	ssyncset.done $0x0  }
0x83: {  	[sflag:s0] =	ssyncadd.s32 $0xFFFFC000  }
0x84: {  	_ =	swait.ge [sflag:s12], $0x100  }
0x85: {  	[sflag:s12] =	ssyncset.done $0x0  }
0x86: {  	[sflag:s12] =	ssyncadd.s32 $0xFFFFFF00  }
0x87: {  	[tilespmem:s25], [sflag:$0x1] =	stream.indirect.gather [hbm4b:s1+s24], $0x80, s29, s24, $0xb8;
	[tilespmem:$0x1BC80] =	vst v63  }
0x88: {  	s20 =	sadd.s32 s18, s16  }
0x89: {  	[tilespmem:s7], [sflag:$0x6] =	stream.linear.gather [hbm4b:s20+s4], $0x100, $0x38;
	[tilespmem:$0x1BC80] =	vst v63  }
0x8a: {  	_ =	swait.ge [sflag:s3], $0x4000  }
0x8b: {  	[sflag:s3] =	ssyncset.done $0x0  }
0x8c: {  	[sflag:s3] =	ssyncadd.s32 $0xFFFFC000  }
0x8d: {  	[spmem:s2] =	stream.indirect.scatter.add.f32 [tilespmem:s28], [sflag:$0x8], $0x80, s5, s24, $0xb8;
	[tilespmem:$0x1BC80] =	vst v63  }
0x8e: {  	_ =	swait.ge [sflag:s13], $0x4000  }
0x8f: {  	[sflag:s13] =	ssyncset.done $0x0  }
0x90: {  	[sflag:s13] =	ssyncadd.s32 $0xFFFFC000  }
0x91: {  	_ =	swait.ge [sflag:s6], $0x100  }
0x92: {  	[sflag:s6] =	ssyncset.done $0x0  }
0x93: {  	[sflag:s6] =	ssyncadd.s32 $0xFFFFFF00  }
0x94: {  	[tilespmem:s28], [sflag:$0x2] =	stream.indirect.gather [hbm4b:s1+s24], $0x80, s7, s24, $0xb8;
	[tilespmem:$0x1BC80] =	vst v63  }
0x95: {  	s20 =	sadd.s32 s18, s15  }
0x96: {  	[tilespmem:s21], [sflag:$0x3] =	stream.linear.gather [hbm4b:s20+s4], $0x100, $0x38;
	[tilespmem:$0x1BC80] =	vst v63  }
0x97: {  	_ =	swait.ge [sflag:s30], $0x4000  }
0x98: {  	[sflag:s30] =	ssyncset.done $0x0  }
0x99: {  	[sflag:s30] =	ssyncadd.s32 $0xFFFFC000  }
0x9a: {  	[spmem:s2] =	stream.indirect.scatter.add.f32 [tilespmem:s25], [sflag:$0x7], $0x80, s8, s24, $0xb8;
	[tilespmem:$0x1BC80] =	vst v63  }
0x9b: {  	_ =	swait.ge [sflag:s0], $0x4000  }
0x9c: {  	[sflag:s0] =	ssyncset.done $0x0  }
0x9d: {  	[sflag:s0] =	ssyncadd.s32 $0xFFFFC000  }
0x9e: {  	_ =	swait.ge [sflag:s23], $0x100  }
0x9f: {  	[sflag:s23] =	ssyncset.done $0x0  }
0xa0: {  	s20 =	rddreg [dreg:$0x5];
	[sflag:s23] =	ssyncadd.s32 $0xFFFFFF00  }
0xa1: {  	[tilespmem:s25], [sflag:$0x1] =	stream.indirect.gather [hbm4b:s1+s24], $0x80, s21, s24, $0xb8;
	[tilespmem:$0x1BC80] =	vst v63  }
0xa2: {  	s18 =	sadd.s32 s18, s20  }
0xa3: {  	[tilespmem:s22], [sflag:$0x4] =	stream.linear.gather [hbm4b:s18+s4], $0x100, $0x38;
	[tilespmem:$0x1BC80] =	vst v63  }
0xa4: {  	_ =	swait.ge [sflag:s3], $0x4000  }
0xa5: {  	[sflag:s3] =	ssyncset.done $0x0  }
0xa6: {  	[sflag:s3] =	ssyncadd.s32 $0xFFFFC000  }
0xa7: {  	[spmem:s2] =	stream.indirect.scatter.add.f32 [tilespmem:s28], [sflag:$0x8], $0x80, s10, s24, $0xb8;
	[tilespmem:$0x1BC80] =	vst v63  }
0xa8: {  	p2 =	sne.s32 s9, $0x900;
	_ =	swait.ge [sflag:s13], $0x4000  }
.Ltmp2:
0xa9: {  	[sflag:s13] =	ssyncset.done $0x0;
	(pc) =	sbr.rel @p2 .LBB2_2-.Ltmp2, $4  }
0xaa: {  	[sflag:s13] =	ssyncadd.s32 $0xFFFFC000  }
0xab: {  	_ =	swait.ge [sflag:s26], $0x100  }
0xac: {  	[sflag:s26] =	ssyncset.done $0x0  }
0xad: {  	s9 =	sadd.s32 $0x80, s9;
	[sflag:s26] =	ssyncadd.s32 $0xFFFFFF00  }
0xae: {  	[tilespmem:s28], [sflag:$0x2] =	stream.indirect.gather [hbm4b:s1+s24], $0x80, s22, s24, $0xb8;
	[tilespmem:$0x1BC80] =	vst v63  }
0xaf: {  	s9 =	simm.s32 @p1 $0x1  }
0xb0: {  	_ =	swait.ge @p1 [sflag:s9], $0x4000  }
0xb1: {  	s18 =	simm.s32 @p1 $0x13900;
	[sflag:s9] =	ssyncset.done @p1 $0x0  }
0xb2: {  	s19 =	simm.s32 @p1 $0x13C80;
	[sflag:s9] =	ssyncadd.s32 @p1 $0xFFFFC000;
	s9 =	simm.s32 @p1 $0x80  }
0xb3: {  	[spmem:s2] =	stream.indirect.scatter.add.f32 @p1 [tilespmem:s19], [sflag:$0x7], $0x80, s18, s9, $0xb8;
	[tilespmem:$0x1BC80] =	vst v63  }
0xb4: {  	s9 =	simm.s32 @p1 $0x7  }
0xb5: {  	_ =	swait.ge @p1 [sflag:s9], $0x4000  }
0xb6: {  	s18 =	simm.s32 @!p1 $0x13A80;
	[sflag:s9] =	ssyncset.done @p1 $0x0  }
0xb7: {  	s19 =	rddreg [dreg:$0xc];
	[sflag:s9] =	ssyncadd.s32 @p1 $0xFFFFC000;
	s9 =	simm.s32 @!p1 $0x0  }
0xb8: {  	[tilespmem:s18], [sflag:$0x5] =	stream.linear.gather @!p1 [hbm4b:s19+s9], $0x100, $0x38;
	[tilespmem:$0x1BC80] =	vst v63  }
0xb9: {  	s9 =	simm.s32 @!p1 $0x1  }
0xba: {  	_ =	swait.ge @!p1 [sflag:s9], $0x4000  }
0xbb: {  	s20 =	simm.s32 @!p1 $0x13C80;
	[sflag:s9] =	ssyncset.done @!p1 $0x0  }
0xbc: {  	s19 =	simm.s32 @!p1 $0x13900;
	[sflag:s9] =	ssyncadd.s32 @!p1 $0xFFFFC000;
	s9 =	simm.s32 @!p1 $0x80  }
0xbd: {  	[spmem:s2] =	stream.indirect.scatter.add.f32 @!p1 [tilespmem:s20], [sflag:$0x7], $0x80, s19, s9, $0xb8;
	[tilespmem:$0x1BC80] =	vst v63  }
0xbe: {  	s19 =	simm.s32 @!p1 $0x7  }
0xbf: {  	_ =	swait.ge @!p1 [sflag:s19], $0x4000  }
0xc0: {  	[sflag:s19] =	ssyncset.done @!p1 $0x0  }
0xc1: {  	[sflag:s19] =	ssyncadd.s32 @!p1 $0xFFFFC000;
	s19 =	simm.s32 @!p1 $0x5  }
0xc2: {  	_ =	swait.ge @!p1 [sflag:s19], $0x100  }
0xc3: {  	[sflag:s19] =	ssyncset.done @!p1 $0x0  }
0xc4: {  	[sflag:s19] =	ssyncadd.s32 @!p1 $0xFFFFFF00  }
0xc5: {  	[tilespmem:s20], [sflag:$0x1] =	stream.indirect.gather @!p1 [hbm4b:s1+s9], $0x80, s18, s9, $0xb8;
	[tilespmem:$0x1BC80] =	vst v63  }
0xc6: {  	_ =	swait.ge [sflag:s3], $0x4000  }
0xc7: {  	[sflag:s3] =	ssyncset.done $0x0  }
.Ltmp3:
0xc8: {  	[sflag:s3] =	ssyncadd.s32 $0xFFFFC000;
	(pc) =	sbr.rel @p1 .LBB2_5-.Ltmp3, $4  }
0xc9: {  	[spmem:s2] =	stream.indirect.scatter.add.f32 [tilespmem:s28], [sflag:$0x8], $0x80, s5, s24, $0xb8;
	[tilespmem:$0x1BC80] =	vst v63  }
0xca: {  	_ =	swait.ge [sflag:s13], $0x4000  }
0xcb: {  	[sflag:s13] =	ssyncset.done $0x0  }
0xcc: {  	[sflag:s13] =	ssyncadd.s32 $0xFFFFC000  }
0xcd: {  	_ =	swait.ge [sflag:s30], $0x4000  }
0xce: {  	[sflag:s30] =	ssyncset.done $0x0  }
0xcf: {  	[sflag:s30] =	ssyncadd.s32 $0xFFFFC000  }
0xd0: {  	[spmem:s2] =	stream.indirect.scatter.add.f32 [tilespmem:s25], [sflag:$0x7], $0x80, s8, s24, $0xb8;
	[tilespmem:$0x1BC80] =	vst v63  }
.Ltmp4:
0xd1: {  	_ =	swait.ge [sflag:s0], $0x4000;
	(pc) =	sbr.rel .LBB2_6-.Ltmp4, $3  }
0xd2: {  	[sflag:s0] =	ssyncset.done $0x0  }
0xd3: {  	[sflag:s0] =	ssyncadd.s32 $0xFFFFC000  }
0xd4: {  	[bflag:$0x0] =	sbarrier.arrive $0xFFFF;
	_ =	sdelay $0x1  }
.LBB2_5:
.Ltmp5:
0xd5: {  	(pc) =	sbr.rel @p0 .LBB2_7-.Ltmp5, $2  }
0xd6: {  	_ =	sdelay $0x1  }
0xd7: {  	[bflag:$0x0] =	sbarrier.arrive $0xFFFF;
	_ =	sdelay $0x1  }
.LBB2_6:
0xd8: {  	s9 =	stileid.u32;
	s18 =	rddreg [dreg:$0x6]  }
0xd9: {  	s19 =	rddreg [dreg:$0xe];
	s9 =	sshll.u32 s9, $0x6  }
.Ltmp6:
0xda: {  	s18 =	sshrl.u32 s18, $0x3;
	s9 =	sor.u32 $0x1C09, s9;
	(pc) =	sbr.rel .LBB2_8-.Ltmp6, $4  }
0xdb: {  	[hbm:s19], [sflag:s9] =	dma.local [spmem:s18], $0x2700  }
0xdc: {  	_ =	swait.ge [sflag:s11], $0x2700  }
0xdd: {  	[sflag:s11] =	ssyncset.done $0x0  }
0xde: {  	[sflag:s11] =	ssyncadd.s32 $0xFFFFD900  }
.LBB2_9:
0xdf: {  	_ =	sfence.sel $0x180000  }
0xe0: {  	[bflag:$0x0] =	sbarrier.arrive $0xFFFF  }
0xe1: {  	_ =	strace $0x9000004A  }
0xe2: {  	s0 =	stileid.u32;
	[bflag:$0x2] =	sbarrier.arrive $0xFFFF  }
0xe3: {  	p0 =	sne.s32 s0, $0x0;
	s0 =	rddreg [dreg:$0x4]  }
0xe4: {  	s0 =	sadd.s32 @!p0 $0x100000, s0  }
0xe5: {  	[sflag:s0] =	ssyncadd.tile.s32 @!p0 $0x1;
	_ =	shalt  }
.Lfunc_end2:
_tile_overlayer_lowered:
.L_overlay_start_2:
0xe6: {  	(tag) =	ssettag $0x2  }
0xe7: {  	s0 =	rddreg [dreg:$0x0];
	s2 =	stileid.u32  }
0xe8: {  	s1 =	rddreg [dreg:$0x1];
	p0 =	sne.s32 s2, $0x0  }
0xe9: {  	s3 =	rddreg [dreg:$0x2];
	[bflag:$0x3] =	sbarrier.arrive $0xFFFF;
	s2 =	simm.s32 @!p0 $0x1C09  }
0xea: {  	[timem:s3], [sflag:s2] =	dma.local @!p0 [hbm:s0], s1  }
0xeb: {  	s0 =	simm.s32 @!p0 $0x9  }
0xec: {  	_ =	swait.ge @!p0 [sflag:s0], s1  }
0xed: {  	s1 =	ssub.s32 @!p0 $0x0, s1;
	[sflag:s0] =	ssyncset.done @!p0 $0x0  }
0xee: {  	[sflag:s0] =	ssyncadd.s32 @!p0 s1  }
0xef: {  	[bflag:$0x3] =	sbarrier.arrive $0xFFFF  }
0xf0: {  	_ =	shalt  }

// kernel: kernel.7.cloned.1.call-start
scs
__scs_entry_jumppad:
0x0: {  	(pc) =	sbr.rel $0x88, $3  }
0x1: {  	(tag) =	ssettag $0x0;
	lr =	simm.s32 $0x1  }
0x2: {  	[smem:$0x3F9D] =	sst lr;
	_ =	strace $0xD0000000  }
0x3: {  	_ = 	snop  }
0x4: {  	_ = 	snop  }
0x5: {  	_ = 	snop  }
0x6: {  	_ = 	snop  }
0x7: {  	_ = 	snop  }
__scs_overlays_trampoline_lowered:
0x8: {  	[smem:$0x3FAC] =	sst s0  }
0x9: {  	[smem:$0x3FAD] =	sst s1  }
0xa: {  	[smem:$0x3FAE] =	sst s2  }
0xb: {  	[smem:$0x3FAF] =	sst s3  }
0xc: {  	[smem:$0x3FB0] =	sst s4  }
0xd: {  	[smem:$0x3FB1] =	sst s5  }
0xe: {  	[smem:$0x3FB2] =	sst s6  }
0xf: {  	[smem:$0x3FB3] =	sst s7  }
0x10: {  	[smem:$0x3FB4] =	sst s8  }
0x11: {  	[smem:$0x3FB5] =	sst s9;
	s0 =	simm.s32 @!p0 $0x0  }
0x12: {  	s1 =	sld [smem:$0x3F9B];
	s0 =	simm.s32 @p0 $0x1  }
0x13: {  	[smem:$0x3FB6] =	sst s0;
	s0 =	simm.s32 @!p1 $0x0  }
0x14: {  	s2 =	sld [smem:$0x3F9A];
	s0 =	simm.s32 @p1 $0x1  }
0x15: {  	[smem:$0x3FB7] =	sst s0;
	s0 =	simm.s32 @!p2 $0x0  }
0x16: {  	s3 =	sld [smem:$0x3FDB];
	s0 =	simm.s32 @p2 $0x1  }
0x17: {  	s4 =	simm.s32 $0x1BF5;
	[smem:$0x3FB9] =	sst s0  }
0x18: {  	s0 =	sld [smem:$0x3F9C];
	_ =	swait.ge [sflag:s4], $0x0  }
0x19: {  	s7 =	sld [smem:$0x3F9D]  }
0x1a: {  	s8 =	sadd.s32 $0xFFFFE003, lr  }
0x1b: {  	s9 =	sadd.s32 $0xFFFFFEF7, lr;
	s5 =	simm.s32 $0xFFFFFFFF;
	p2 =	slt.u32 s8, $0xFFFFF086  }
0x1c: {  	p1 =	slt.u32 s9, $0xF7A;
	s5 =	simm.s32 @!p2 $0x0  }
0x1d: {  	s5 =	simm.s32 @p1 $0x1;
	p0 =	seq.s32 s7, s2  }
0x1e: {  	s7 =	smul.u32 @!p0 $0xF7A, s2;
	p2 =	seq.s32 @!p0 s5, $0x0  }
0x1f: {  	s9 =	smul.u32 $0xF7A, s1;
	s8 =	simm.s32 @!p0 $0x1BF5;
	p2 =	por !p2, p0  }
0x20: {  	[sflag:s8] =	ssyncset.s32 @!p0 $0xFFFFF086;
	s6 =	sadd.s32 @!p0 s3, s7;
	s7 =	simm.s32 @!p0 $0x108  }
0x21: {  	s3 =	sadd.s32 s3, s9;
	s6 =	sadd.s32 @!p0 $0x88, s6;
	s7 =	simm.s32 @p2 $0x1082  }
0x22: {  	[simem:s7], [sflag:s8] =	dma.local @!p0 [hbm:s6], $0xF7A  }
0x23: {  	s9 =	sor.u32 $0xD0000000, s2;
	s6 =	simm.s32 $0x108;
	_ =	swait.ge @!p0 [sflag:s8], $0x0  }
0x24: {  	s3 =	sadd.s32 $0x88, s3;
	s6 =	simm.s32 @!p1 $0x1082;
	[sflag:s4] =	ssyncset.s32 $0xFFFFF086  }
0x25: {  	[simem:s6], [sflag:s4] =	dma.local [hbm:s3], $0xF7A  }
0x26: {  	[smem:$0x3F9D] =	sst s1;
	(tag) =	ssettag s2;
	_ =	strace s9  }
0x27: {  	s1 =	sld [smem:$0x3FAD]  }
0x28: {  	s2 =	sld [smem:$0x3FAE]  }
0x29: {  	s4 =	sld [smem:$0x3FB0]  }
0x2a: {  	p0 =	seq.s32 s5, $0x0;
	s5 =	sld [smem:$0x3FB1]  }
0x2b: {  	s6 =	sld [smem:$0x3FB2]  }
0x2c: {  	s7 =	sld [smem:$0x3FB3]  }
0x2d: {  	s3 =	simm.s32 $0x108;
	s8 =	sld [smem:$0x3FB4]  }
0x2e: {  	s3 =	simm.s32 @!p0 $0x1082;
	s9 =	sld [smem:$0x3FB5]  }
0x2f: {  	lr =	sadd.s32 s0, s3;
	s0 =	sld [smem:$0x3FAC]  }
0x30: {  	s3 =	sld [smem:$0x3FAF]  }
0x31: {  	[smem:$0x3FB8] =	sst s10  }
0x32: {  	s10 =	sld [smem:$0x3FB6];
	_ =	sdelay $0x3  }
0x33: {  	p0 =	seq.s32 s10, $0x1;
	s10 =	sld [smem:$0x3FB8];
	_ =	sdelay $0x3  }
0x34: {  	[smem:$0x3FB8] =	sst s10  }
0x35: {  	s10 =	sld [smem:$0x3FB7];
	_ =	sdelay $0x3  }
0x36: {  	p1 =	seq.s32 s10, $0x1;
	s10 =	sld [smem:$0x3FB8];
	_ =	sdelay $0x3  }
0x37: {  	[smem:$0x3FB8] =	sst s10  }
0x38: {  	s10 =	sld [smem:$0x3FB9]  }
0x39: {  	_ = 	snop;
	(pc) =	sbr.ind lr, $3  }
0x3a: {  	_ = 	snop  }
0x3b: {  	_ = 	snop  }
0x3c: {  	p2 =	seq.s32 s10, $0x1;
	s10 =	sld [smem:$0x3FB8]  }
0x3d: {  	_ =	shalt  }
0x3e: {  	_ =	shalt  }
0x3f: {  	_ =	shalt  }
0x40: {  	_ =	shalt  }
0x41: {  	_ =	shalt  }
0x42: {  	_ =	shalt  }
0x43: {  	_ =	shalt  }
0x44: {  	_ =	shalt  }
0x45: {  	_ =	shalt  }
0x46: {  	_ =	shalt  }
0x47: {  	_ =	shalt  }
0x48: {  	_ =	shalt  }
0x49: {  	_ =	shalt  }
0x4a: {  	_ =	shalt  }
0x4b: {  	_ =	shalt  }
0x4c: {  	_ =	shalt  }
0x4d: {  	_ =	shalt  }
0x4e: {  	_ =	shalt  }
0x4f: {  	_ =	shalt  }
0x50: {  	_ =	shalt  }
0x51: {  	_ =	shalt  }
0x52: {  	_ =	shalt  }
0x53: {  	_ =	shalt  }
0x54: {  	_ =	shalt  }
0x55: {  	_ =	shalt  }
0x56: {  	_ =	shalt  }
0x57: {  	_ =	shalt  }
0x58: {  	_ =	shalt  }
0x59: {  	_ =	shalt  }
0x5a: {  	_ =	shalt  }
0x5b: {  	_ =	shalt  }
0x5c: {  	_ =	shalt  }
0x5d: {  	_ =	shalt  }
0x5e: {  	_ =	shalt  }
0x5f: {  	_ =	shalt  }
0x60: {  	_ =	shalt  }
0x61: {  	_ =	shalt  }
0x62: {  	_ =	shalt  }
0x63: {  	_ =	shalt  }
0x64: {  	_ =	shalt  }
0x65: {  	_ =	shalt  }
0x66: {  	_ =	shalt  }
0x67: {  	_ =	shalt  }
0x68: {  	_ =	shalt  }
0x69: {  	_ =	shalt  }
0x6a: {  	_ =	shalt  }
0x6b: {  	_ =	shalt  }
0x6c: {  	_ =	shalt  }
0x6d: {  	_ =	shalt  }
0x6e: {  	_ =	shalt  }
0x6f: {  	_ =	shalt  }
0x70: {  	_ =	shalt  }
0x71: {  	_ =	shalt  }
0x72: {  	_ =	shalt  }
0x73: {  	_ =	shalt  }
0x74: {  	_ =	shalt  }
0x75: {  	_ =	shalt  }
0x76: {  	_ =	shalt  }
0x77: {  	_ =	shalt  }
0x78: {  	_ =	shalt  }
0x79: {  	_ =	shalt  }
0x7a: {  	_ =	shalt  }
0x7b: {  	_ =	shalt  }
0x7c: {  	_ =	shalt  }
0x7d: {  	_ =	shalt  }
0x7e: {  	_ =	shalt  }
0x7f: {  	_ =	shalt  }
0x80: {  	_ =	shalt  }
0x81: {  	_ =	shalt  }
0x82: {  	_ =	shalt  }
0x83: {  	_ =	shalt  }
0x84: {  	_ =	shalt  }
0x85: {  	_ =	shalt  }
0x86: {  	_ =	shalt  }
0x87: {  	_ =	shalt  }
.Lfunc_end0:
.L_simem_size_0:
called_computation_lowered:
.L_overlay_start_0:
0x88: {  	s2 =	sld [smem:$0x3FD9]  }
0x89: {  	s3 =	sld [smem:$0x3FFE];
	_ =	sdelay $0x1  }
0x8a: {  	s1 =	srdreg.scid  }
0x8b: {  	s0 =	sand.u32 $0x1, s1  }
0x8c: {  	s18 =	sshll.u32 s0, $0xA;
	s2 =	sadd.s32 s3, s2  }
0x8d: {  	s2 =	sadd.s32 s2, s18  }
0x8e: {  	[smem:$0x3FC4] =	sst s2  }
0x8f: {  	_ = 	snop  }
0x90: {  	s2 =	sld [smem:$0x3FC8]  }
0x91: {  	s19 =	sld [smem:$0x3FD0];
	(tm) =	ssettm $0x1  }
0x92: {  	s4 =	sld [smem:$0x3FFB];
	_ =	sdelay $0x3  }
0x93: {  	_ =	strace s4  }
0x94: {  	s4 =	sld [smem:$0x3FFC];
	_ =	sdelay $0x3  }
0x95: {  	_ =	strace s4  }
0x96: {  	s4 =	sld [smem:$0x3FFD];
	_ =	sdelay $0x3  }
0x97: {  	_ =	strace s4  }
0x98: {  	_ =	strace $0x8FFFFFFF  }
0x99: {  	s20 =	sld [smem:$0x3FDB];
	_ =	sdelay $0x1  }
0x9a: {  	s5 =	simm.s32 $_scs_section_size  }
0x9b: {  	s6 =	simm.s32 $_size__tile_overlayer_lowered;
	s7 =	simm.s32 $_tile_overlayer_lowered  }
0x9c: {  	s23 =	simm.s32 $0x1BFF;
	s22 =	sshll.u32 s7, $0x1;
	s4 =	sadd.s32 s5, s20  }
0x9d: {  	s8 =	simm.s32 $0x0;
	s21 =	sshll.u32 s6, $0x1;
	s6 =	sadd.s32 s22, s4  }
0x9e: {  	[timem:s8], [sflag:s23] =	dma.local [hbm:s6], s21  }
0x9f: {  	_ =	swait.ge [sflag:s23], s21  }
0xa0: {  	s5 =	ssub.s32 $0x0, s21;
	[sflag:s23] =	ssyncset.done $0x0  }
0xa1: {  	[sflag:s23] =	ssyncadd.s32 s5;
	_ =	sdelay $0x1  }
0xa2: {  	s24 =	simm.s32 $0x1B8B  }
0xa3: {  	_ =	swait.ge [sflag:s24], $0x1  }
0xa4: {  	[sflag:s24] =	ssyncset.done $0x0  }
0xa5: {  	s25 =	simm.s32 $0x1B8E;
	[sflag:s24] =	ssyncadd.s32 $0xFFFFFFFF  }
0xa6: {  	s26 =	simm.s32 $execute0_lowered;
	[smem:$0x3FD2] =	sst s25  }
0xa7: {  	s5 =	sshll.u32 s26, $0x1;
	_ =	strace $0x80000046;
	[dreg:$0x1] =	wrdreg $0xFFFFFFFF  }
0xa8: {  	s28 =	simm.s32 $_size_execute0_lowered;
	s4 =	sadd.s32 s4, s5;
	[dreg:$0x0] =	wrdreg $0x0  }
0xa9: {  	s5 =	sshll.u32 s28, $0x1;
	[dreg:$0x2] =	wrdreg s4  }
0xaa: {  	[dreg:$0x3] =	wrdreg s5  }
0xab: {  	[dreg:$0x4] =	wrdreg $0xC0  }
0xac: {  	_ =	task [dreg:s8], $0x5FFFF  }
0xad: {  	[dreg:$0x1] =	wrdreg $0xFFFFFFFF  }
0xae: {  	[dreg:$0x0] =	wrdreg $0x60  }
0xaf: {  	[dreg:$0x2] =	wrdreg s2  }
0xb0: {  	[dreg:$0x3] =	wrdreg s19  }
0xb1: {  	[dreg:$0x4] =	wrdreg $0x0  }
0xb2: {  	[dreg:$0x5] =	wrdreg $0x9  }
0xb3: {  	_ =	task.clear_ibuf [dreg:s8], $0x6FFFF;
	_ =	strace $0x90000046  }
0xb4: {  	s29 =	simm.s32 $0x9;
	_ =	strace $0x80000048  }
0xb5: {  	_ =	swait.ge [sflag:s29], $0x1  }
0xb6: {  	[sflag:s29] =	ssyncadd.s32 $0xFFFFFFFF  }
0xb7: {  	_ =	strace $0x90000048  }
0xb8: {  	_ =	sfence  }
0xb9: {  	s30 =	sld [smem:$0x0];
	_ =	sdelay $0x2  }
0xba: {  	s31 =	sshll.u32 s1, $0xD;
	s1 =	sshrl.u32 s1, $0x2  }
0xbb: {  	s3 =	sand.u32 $0x4000, s31;
	s1 =	sadd.s32 s1, s30  }
0xbc: {  	s0 =	sor.u32 s3, s0;
	s1 =	sshll.u32 s1, $0x11  }
0xbd: {  	s0 =	sor.u32 s1, s0  }
0xbe: {  	s0 =	sadd.s32 $0x8F2B, s0  }
0xbf: {  	[sflag:s0] =	ssyncadd.remote.s32 $0x1  }
0xc0: {  	_ =	sfence.sel $0xFFFF  }
0xc1: {  	[dreg:$0x0] =	wrdreg $0xFFFFFFFF;
	(pc) =	sbr.abs _section_cstart, $3  }
0xc2: {  	[dreg:$0x1] =	wrdreg $0xFFFFFFFF  }
0xc3: {  	_ =	task.clear_ibuf [dreg:s8], $0x2FFFF;
	_ =	strace $0x9FFFFFFF  }
0xc4: {  	(tm) =	ssettm $0x7FFFFFFF  }
0xc5: {  	_ =	shalt  }
tec
execute0_lowered:
.L_overlay_start_1:
0x0: {  	(tag) =	ssettag $0x1  }
0x1: {  	s6 =	rddreg [dreg:$0x0]  }
0x2: {  	s4 =	rddreg [dreg:$0x1]  }
0x3: {  	s1 =	rddreg [dreg:$0x2]  }
0x4: {  	s0 =	rddreg [dreg:$0x3];
	s2 =	simm.s32 $0x0;
	s3 =	srdreg.scid  }
0x5: {  	s7 =	stileid.u32;
	s13 =	simm.s32 $0x0;
	[smem:$0x7FF] =	sst s2  }
0x6: {  	s5 =	sand.u32 $0x1, s3;
	s9 =	smul.u32 $0x9C, s7;
	s11 =	sshll.u32 s7, $0x1  }
0x7: {  	p0 =	slt.u32 s7, $0x2;
	s3 =	simm.s32 $0x4F;
	_ =	strace $0x80000047  }
0x8: {  	s8 =	ssub.s32 $0x2, s5;
	s12 =	smul.u32 $0x4E, s5;
	s11 =	sor.u32 s5, s11  }
0x9: {  	s5 =	smul.u32 $0x4F0, s5;
	s3 =	simm.s32 @!p0 $0x4E;
	p0 =	sne.s32 s7, $0x0  }
0xa: {  	s7 =	simm.s32 $0x278;
	s10 =	sshrl.u32 s8, $0x1;
	s11 =	smin.u32 s11, $0x4  }
0xb: {  	s9 =	sadd.s32 s12, s9;
	s8 =	ssub.s32 s8, s10;
	s4 =	sadd.s32 s4, s5  }
0xc: {  	s10 =	simm.s32 $0x80;
	s12 =	simm.s32 $0x2;
	s9 =	sadd.s32 s11, s9  }
0xd: {  	s5 =	smax.u32 s8, $0x1;
	s8 =	simm.s32 $0x3;
	s31 =	sshll.u32 s9, $0x5  }
0xe: {  	v0 =	vimm.f32 $1.000000000e+00;
	v1 =	vimm.f32 $0.0e+00;
	s11 =	simm.s32 $0x29F8;
	s9 =	simm.s32 $0x1;
	s6 =	sadd.s32 s31, s6  }
.LBB2_1:
0xf: {  	[tilespmem:$0x29F8] =	vst v0  }
0x10: {  	[tilespmem:$0x2A08] =	vst v0  }
0x11: {  	[tilespmem:$0x2A18] =	vst v0  }
.Ltmp0:
0x12: {  	[tilespmem:$0x2A28] =	vst v0;
	(pc) =	sbr.rel @p0 .LBB2_5-.Ltmp0, $4  }
0x13: {  	[tilespmem:$0x2A38] =	vst v0  }
0x14: {  	[tilespmem:$0x2A48] =	vst v0  }
0x15: {  	[tilespmem:$0x2A58] =	vst v0  }
0x16: {  	[tilespmem:$0x2A68] =	vst v0  }
0x17: {  	s14 =	simm.s32 $0x40;
	s15 =	simm.s32 $0x0  }
.LBB2_3:
0x18: {  	p1 =	sne.s32 s14, $0x9C00;
	[tilespmem:s15+$0x278] =	vst v1;
	s15 =	smov.u32 s14;
	s14 =	sadd.s32 $0x40, s14  }
.Ltmp1:
0x19: {  	(pc) =	sbr.rel @p1 .LBB2_3-.Ltmp1, $2  }
0x1a: {  	_ =	sdelay $0x2  }
0x1b: {  	s15 =	sshra.s32 s15, $0x2  }
0x1c: {  	[tilespmem:s15+$0x278] =	vst v1  }
0x1d: {  	[spmem:s1] =	stream.linear.scatter [tilespmem:s7], [sflag:$0x3], $0x2780, $0x38;
	[tilespmem:$0x7978] =	vst v63  }
0x1e: {  	_ =	swait.ge [sflag:s8], $0x2780  }
0x1f: {  	[sflag:s8] =	ssyncset.done $0x0  }
0x20: {  	[sflag:s8] =	ssyncadd.s32 $0xFFFFD880  }
.LBB2_5:
0x21: {  	p3 =	sne.s32 s3, $0x1  }
.Ltmp2:
0x22: {  	s14 =	simm.s32 $0x2A78;
	p1 =	por $0x1, $0x1;
	(pc) =	sbr.rel @!p3 .LBB2_7-.Ltmp2, $4  }
0x23: {  	[tilespmem:s14], [sflag:$0x1] =	stream.linear.gather [hbm4b:s6+s2], $0x100, $0x38;
	[tilespmem:$0x7978] =	vst v63  }
0x24: {  	s17 =	simm.s32 @!p1 $0x1  }
0x25: {  	s15 =	simm.s32 $0x1;
	_ =	swait.ge @!p1 [sflag:s17], $0x100  }
0x26: {  	s16 =	sadd.s32 $0x20, s6;
	p2 =	por $0x1, $0x1;
	[sflag:s17] =	ssyncset.done @!p1 $0x0  }
.LBB2_6:
0x27: {  	[sflag:s17] =	ssyncadd.s32 @!p2 $0xFFFFFF00  }
0x28: {  	s14 =	sadd.s32 $0x100, s14;
	s17 =	smov.u32 s15;
	s15 =	sadd.s32 $0x1, s15  }
0x29: {  	p3 =	sne.s32 s3, s15  }
0x2a: {  	[tilespmem:s14], [sflag:$0x1] =	stream.linear.gather [hbm4b:s16+s2], $0x100, $0x38;
	[tilespmem:$0x7978] =	vst v63  }
.Ltmp3:
0x2b: {  	_ = 	snop;
	(pc) =	sbr.rel @p3 .LBB2_6-.Ltmp3, $4  }
0x2c: {  	p2 =	slt.u32 s17, $0x8  }
0x2d: {  	s17 =	simm.s32 @!p2 $0x1  }
0x2e: {  	_ =	swait.ge @!p2 [sflag:s17], $0x100  }
0x2f: {  	s16 =	sadd.s32 $0x20, s16;
	[sflag:s17] =	ssyncset.done @!p2 $0x0  }
.LBB2_7:
0x30: {  	[sflag:s17] =	ssyncadd.s32 @!p2 $0xFFFFFF00  }
0x31: {  	_ =	swait.ge [sflag:s9], $0x100  }
0x32: {  	[sflag:s9] =	ssyncset.done $0x0  }
0x33: {  	[sflag:s9] =	ssyncadd.s32 $0xFFFFFF00  }
0x34: {  	_ =	swait.ge [sflag:s9], $0x100  }
0x35: {  	[sflag:s9] =	ssyncset.done $0x0  }
0x36: {  	[sflag:s9] =	ssyncadd.s32 $0xFFFFFF00  }
0x37: {  	_ =	swait.ge [sflag:s9], $0x100  }
0x38: {  	[sflag:s9] =	ssyncset.done $0x0  }
0x39: {  	[sflag:s9] =	ssyncadd.s32 $0xFFFFFF00  }
0x3a: {  	_ =	swait.ge [sflag:s9], $0x100  }
0x3b: {  	[sflag:s9] =	ssyncset.done $0x0  }
0x3c: {  	[sflag:s9] =	ssyncadd.s32 $0xFFFFFF00  }
0x3d: {  	_ =	swait.ge [sflag:s9], $0x100  }
0x3e: {  	[sflag:s9] =	ssyncset.done $0x0  }
0x3f: {  	[sflag:s9] =	ssyncadd.s32 $0xFFFFFF00  }
0x40: {  	_ =	swait.ge [sflag:s9], $0x100  }
0x41: {  	[sflag:s9] =	ssyncset.done $0x0  }
0x42: {  	[sflag:s9] =	ssyncadd.s32 $0xFFFFFF00  }
0x43: {  	_ =	swait.ge [sflag:s9], $0x100  }
0x44: {  	[sflag:s9] =	ssyncset.done $0x0  }
0x45: {  	[sflag:s9] =	ssyncadd.s32 $0xFFFFFF00  }
0x46: {  	_ =	swait.ge [sflag:s9], $0x100  }
0x47: {  	p2 =	sne.s32 s3, $0x1;
	[sflag:s9] =	ssyncset.done $0x0  }
.Ltmp4:
0x48: {  	[sflag:s9] =	ssyncadd.s32 $0xFFFFFF00;
	(pc) =	sbr.rel @!p2 .LBB2_9-.Ltmp4, $4  }
0x49: {  	s14 =	simm.s32 $0x2AF8;
	s16 =	simm.s32 @!p1 $0x2;
	[bflag:$0x0] =	sbarrier.arrive $0xFFFF  }
0x4a: {  	[spmem:s1] =	stream.indirect.scatter.add.f32 [tilespmem:s11], [sflag:$0x2], $0x1, s14, s10, $0xb8;
	[tilespmem:$0x7978] =	vst v63  }
0x4b: {  	_ =	swait.ge @!p1 [sflag:s16], $0x80  }
0x4c: {  	s15 =	simm.s32 $0x1;
	[sflag:s16] =	ssyncset.done @!p1 $0x0  }
.LBB2_8:
0x4d: {  	[sflag:s16] =	ssyncadd.s32 @!p1 $0xFFFFFF80  }
0x4e: {  	s14 =	sadd.s32 $0x100, s14;
	s16 =	smov.u32 s15;
	s15 =	sadd.s32 $0x1, s15  }
0x4f: {  	p2 =	sne.s32 s3, s15  }
0x50: {  	[spmem:s1] =	stream.indirect.scatter.add.f32 [tilespmem:s11], [sflag:$0x2], $0x1, s14, s10, $0xb8;
	[tilespmem:$0x7978] =	vst v63  }
.Ltmp5:
0x51: {  	_ = 	snop;
	(pc) =	sbr.rel @p2 .LBB2_8-.Ltmp5, $4  }
0x52: {  	p1 =	slt.u32 s16, $0x8  }
0x53: {  	s16 =	simm.s32 @!p1 $0x2  }
0x54: {  	_ =	swait.ge @!p1 [sflag:s16], $0x80  }
0x55: {  	[sflag:s16] =	ssyncset.done @!p1 $0x0  }
.LBB2_9:
0x56: {  	[sflag:s16] =	ssyncadd.s32 @!p1 $0xFFFFFF80  }
0x57: {  	_ =	swait.ge [sflag:s12], $0x80  }
0x58: {  	[sflag:s12] =	ssyncset.done $0x0  }
0x59: {  	[sflag:s12] =	ssyncadd.s32 $0xFFFFFF80  }
0x5a: {  	_ =	swait.ge [sflag:s12], $0x80  }
0x5b: {  	[sflag:s12] =	ssyncset.done $0x0  }
0x5c: {  	[sflag:s12] =	ssyncadd.s32 $0xFFFFFF80  }
0x5d: {  	_ =	swait.ge [sflag:s12], $0x80  }
0x5e: {  	[sflag:s12] =	ssyncset.done $0x0  }
0x5f: {  	[sflag:s12] =	ssyncadd.s32 $0xFFFFFF80  }
0x60: {  	_ =	swait.ge [sflag:s12], $0x80  }
0x61: {  	[sflag:s12] =	ssyncset.done $0x0  }
0x62: {  	[sflag:s12] =	ssyncadd.s32 $0xFFFFFF80  }
0x63: {  	_ =	swait.ge [sflag:s12], $0x80  }
0x64: {  	[sflag:s12] =	ssyncset.done $0x0  }
0x65: {  	[sflag:s12] =	ssyncadd.s32 $0xFFFFFF80  }
0x66: {  	_ =	swait.ge [sflag:s12], $0x80  }
0x67: {  	[sflag:s12] =	ssyncset.done $0x0  }
0x68: {  	[sflag:s12] =	ssyncadd.s32 $0xFFFFFF80  }
0x69: {  	_ =	swait.ge [sflag:s12], $0x80  }
0x6a: {  	[sflag:s12] =	ssyncset.done $0x0  }
0x6b: {  	[sflag:s12] =	ssyncadd.s32 $0xFFFFFF80  }
0x6c: {  	_ =	swait.ge [sflag:s12], $0x80  }
0x6d: {  	[sflag:s12] =	ssyncset.done $0x0  }
0x6e: {  	s14 =	sshrl.u32 @!p0 s1, $0x3;
	s13 =	sadd.s32 $0x1, s13;
	[sflag:s12] =	ssyncadd.s32 $0xFFFFFF80  }
0x6f: {  	s15 =	simm.s32 @!p0 $0x1C03;
	p1 =	sne.s32 s13, s5;
	[bflag:$0x0] =	sbarrier.arrive $0xFFFF  }
0x70: {  	[hbm:s4], [sflag:s15] =	dma.local @!p0 [spmem:s14], $0x4F0  }
.Ltmp6:
0x71: {  	_ = 	snop;
	(pc) =	sbr.rel @p1 .LBB2_1-.Ltmp6, $4  }
0x72: {  	s14 =	simm.s32 @!p0 $0x3  }
0x73: {  	_ =	swait.ge @!p0 [sflag:s14], $0x4F0  }
0x74: {  	[sflag:s14] =	ssyncset.done @!p0 $0x0  }
0x75: {  	[sflag:s14] =	ssyncadd.s32 @!p0 $0xFFFFFB10  }
0x76: {  	_ =	sfence.sel $0x180000  }
0x77: {  	[bflag:$0x0] =	sbarrier.arrive $0xFFFF  }
0x78: {  	_ =	strace $0x90000047  }
0x79: {  	s0 =	sadd.s32 @!p0 $0x100000, s0;
	[bflag:$0x2] =	sbarrier.arrive $0xFFFF  }
0x7a: {  	[sflag:s0] =	ssyncadd.tile.s32 @!p0 $0x1;
	_ =	shalt  }
.Lfunc_end2:
_tile_overlayer_lowered:
.L_overlay_start_2:
0x7b: {  	(tag) =	ssettag $0x2  }
0x7c: {  	s0 =	rddreg [dreg:$0x0];
	s2 =	stileid.u32  }
0x7d: {  	s1 =	rddreg [dreg:$0x1];
	p0 =	sne.s32 s2, $0x0  }
0x7e: {  	s3 =	rddreg [dreg:$0x2];
	[bflag:$0x3] =	sbarrier.arrive $0xFFFF;
	s2 =	simm.s32 @!p0 $0x1C03  }
0x7f: {  	[timem:s3], [sflag:s2] =	dma.local @!p0 [hbm:s0], s1  }
0x80: {  	s0 =	simm.s32 @!p0 $0x3  }
0x81: {  	_ =	swait.ge @!p0 [sflag:s0], s1  }
0x82: {  	s1 =	ssub.s32 @!p0 $0x0, s1;
	[sflag:s0] =	ssyncset.done @!p0 $0x0  }
0x83: {  	[sflag:s0] =	ssyncadd.s32 @!p0 s1  }
0x84: {  	[bflag:$0x3] =	sbarrier.arrive $0xFFFF  }
0x85: {  	_ =	shalt  }

</sc_bundles>
